<compile_context>
chip_gen: v7x
topology: tpu7x:2x2x1
jax: 0.10.2.dev20260603
libtpu: 0.0.44.dev20260713+nightly
codegen_flags: <defaults>
</compile_context>

<pallas_src>
import functools

import jax
import jax.numpy as jnp
from jax import lax
from jax.experimental import pallas as pl
from jax.experimental.pallas import tpu as pltpu
from jax.experimental.pallas import tpu_sc as plsc

_NC = 2
_NS = 16
_L = 16
_NW = _NC * _NS
_CHUNK = 16384

_N = 16777216
_F = 9437184
_TC_BLOCK = 524288


def _make_sc_partials(n_sc):
    per_w = n_sc // _NW
    n_chunks = per_w // _CHUNK
    assert per_w * _NW == n_sc and n_chunks * _CHUNK == per_w

    mesh = plsc.VectorSubcoreMesh(
        core_axis_name="c", subcore_axis_name="s",
        num_cores=_NC, num_subcores=_NS,
    )

    @functools.partial(
        pl.kernel,
        out_type=(
            jax.ShapeDtypeStruct((_NW, _L), jnp.int32),
            jax.ShapeDtypeStruct((_NW, _L), jnp.int32),
        ),
        mesh=mesh,
        scratch_types=[
            pltpu.VMEM((_CHUNK,), jnp.int32),
            pltpu.VMEM((_CHUNK,), jnp.int32),
            pltpu.VMEM((_CHUNK,), jnp.int32),
            pltpu.VMEM((_CHUNK,), jnp.int32),
            pltpu.VMEM((_L,), jnp.int32),
            pltpu.VMEM((_L,), jnp.int32),
            pltpu.SemaphoreType.DMA,
            pltpu.SemaphoreType.DMA,
            pltpu.SemaphoreType.DMA,
            pltpu.SemaphoreType.DMA,
        ],
    )
    def sc_partials(t_hbm, p_hbm, out_t, out_or,
                    tb0, tb1, pb0, pb1, acc_t_v, acc_or_v,
                    st0, st1, sp0, sp1):
        cid = lax.axis_index("c")
        sid = lax.axis_index("s")
        wid = sid * _NC + cid
        base = wid * per_w

        tbufs = (tb0, tb1)
        pbufs = (pb0, pb1)
        tsems = (st0, st1)
        psems = (sp0, sp1)

        def start(chunk, slot):
            off = base + chunk * _CHUNK
            dt = pltpu.async_copy(
                t_hbm.at[pl.ds(off, _CHUNK)], tbufs[slot], tsems[slot])
            dp = pltpu.async_copy(
                p_hbm.at[pl.ds(off, _CHUNK)], pbufs[slot], psems[slot])
            return dt, dp

        pending = [None, None]
        pending[0] = start(0, 0)

        z = jnp.zeros((_L,), jnp.int32)
        acc = (z, z, z, z)
        for c in range(n_chunks):
            slot = c & 1
            nxt = slot ^ 1
            if c + 1 < n_chunks:
                pending[nxt] = start(c + 1, nxt)
            dt, dp = pending[slot]
            dt.wait()
            dp.wait()

            tb = tbufs[slot]
            pb = pbufs[slot]

            def body(i, carry):
                at0, ao0, at1, ao1 = carry
                t0 = tb[pl.ds(i, _L)]
                p0 = pb[pl.ds(i, _L)]
                t1 = tb[pl.ds(i + _L, _L)]
                p1 = pb[pl.ds(i + _L, _L)]
                return (at0 + t0, ao0 + (t0 | p0),
                        at1 + t1, ao1 + (t1 | p1))

            acc = plsc.parallel_loop(
                0, _CHUNK, 2 * _L, unroll=8, carry=acc)(body)

        acc_t_v[...] = acc[0] + acc[2]
        acc_or_v[...] = acc[1] + acc[3]
        pltpu.sync_copy(acc_t_v, out_t.at[wid])
        pltpu.sync_copy(acc_or_v, out_or.at[wid])

    return sc_partials


def _tc_partials(t, p, e0):
    n_el = t.shape[0] - e0
    n_blocks = n_el // _TC_BLOCK
    assert n_blocks * _TC_BLOCK == n_el and e0 % _TC_BLOCK == 0

    def body(t_ref, p_ref, out_ref, acc_ref):
        i = pl.program_id(0)
        t_blk = t_ref[...]
        p_blk = p_ref[...]
        st = jnp.sum(t_blk)
        so = jnp.sum(t_blk | p_blk)

        @pl.when(i == 0)
        def _init():
            acc_ref[0] = st
            acc_ref[1] = so

        @pl.when(i > 0)
        def _acc():
            acc_ref[0] += st
            acc_ref[1] += so

        @pl.when(i == n_blocks - 1)
        def _out():
            out_ref[0] = acc_ref[0]
            out_ref[1] = acc_ref[1]

    blk = lambda i: (e0 // _TC_BLOCK + i,)
    return pl.pallas_call(
        body,
        grid=(n_blocks,),
        in_specs=[
            pl.BlockSpec((_TC_BLOCK,), blk),
            pl.BlockSpec((_TC_BLOCK,), blk),
        ],
        out_specs=pl.BlockSpec(memory_space=pltpu.SMEM),
        out_shape=jax.ShapeDtypeStruct((2,), jnp.int32),
        scratch_shapes=[pltpu.SMEM((2,), jnp.int32)],
    )(t, p)


def _finish(sc_pt, sc_po, tc_sums, n):
    def body(pt_ref, po_ref, tc_ref, out_ref):
        st = jnp.sum(pt_ref[...]) + tc_ref[0]
        so = jnp.sum(po_ref[...]) + tc_ref[1]
        tn = (n - so).astype(jnp.float32)
        tnfp = (n - st).astype(jnp.float32)
        out_ref[...] = jnp.full((1, 1), tn / tnfp, jnp.float32)

    out = pl.pallas_call(
        body,
        in_specs=[
            pl.BlockSpec(memory_space=pltpu.VMEM),
            pl.BlockSpec(memory_space=pltpu.VMEM),
            pl.BlockSpec(memory_space=pltpu.SMEM),
        ],
        out_shape=jax.ShapeDtypeStruct((1, 1), jnp.float32),
    )(sc_pt, sc_po, tc_sums)
    return out[0, 0]


@jax.jit
def kernel(y_true, y_pred):
    n = y_true.shape[0]
    t = y_true.astype(jnp.int32)
    p = y_pred.astype(jnp.int32)
    sc_pt, sc_po = _make_sc_partials(_F)(t, p)
    tc_sums = _tc_partials(t, p, _F)
    return _finish(sc_pt, sc_po, tc_sums, n)

# --- scband reference (transcript-rebuilt; emitter-appended) ---
"""Pipeline reference for scband-specificity-77824807403729 (READ-ONLY COPY).

The authoritative reference and input builder live on the scoring server;
editing this copy changes nothing except your own understanding.
"""

import jax, jax.numpy as jnp
import numpy as np

N = 16777216

def setup_inputs(seed: int = 0) -> dict:
    key = jax.random.key(seed)
    k1, k2 = jax.random.split(key)
    y_true = jax.random.randint(k1, (N,), 0, 2)
    y_pred = jax.random.randint(k2, (N,), 0, 2)
    return {"y_true": y_true, "y_pred": y_pred}

def reference(y_true, y_pred):
    # sklearn.metrics.confusion_matrix for binary labels:
    # cm[i, j] = count(true == i and pred == j)
    # ravel() -> tn, fp, fn, tp = cm[0,0], cm[0,1], cm[1,0], cm[1,1]
    idx = y_true * 2 + y_pred
    cm = jnp.bincount(idx, length=4)
    tn = cm[0]
    fp = cm[1]
    specificity = tn.astype(jnp.float32) / (tn + fp).astype(jnp.float32)
    return specificity

if __name__ == "__main__":
    import jax
    _d = setup_inputs()
    print(jax.jit(kernel)(*tuple(_d.values())))

</pallas_src>

<mosaic_0001>
#map = affine_map<(d0, d1) -> (0)>
#map1 = affine_map<(d0, d1) -> (0, 0)>
module attributes {stable_mosaic.version = 14 : i64} {
  func.func @sc_partials(%arg0: i32, %arg1: i32, %arg2: memref<16777216xi32, #tpu.memory_space<hbm>>, %arg3: memref<16777216xi32, #tpu.memory_space<hbm>>, %arg4: memref<32x16xi32, #tpu.memory_space<hbm>>, %arg5: memref<32x16xi32, #tpu.memory_space<hbm>>, %arg6: memref<16384xi32, #tpu.memory_space<vmem>>, %arg7: memref<16384xi32, #tpu.memory_space<vmem>>, %arg8: memref<16384xi32, #tpu.memory_space<vmem>>, %arg9: memref<16384xi32, #tpu.memory_space<vmem>>, %arg10: memref<16xi32, #tpu.memory_space<vmem>>, %arg11: memref<16xi32, #tpu.memory_space<vmem>>, %arg12: memref<!tpu.dma_semaphore, #tpu.memory_space<semaphore_mem>>, %arg13: memref<!tpu.dma_semaphore, #tpu.memory_space<semaphore_mem>>, %arg14: memref<!tpu.dma_semaphore, #tpu.memory_space<semaphore_mem>>, %arg15: memref<!tpu.dma_semaphore, #tpu.memory_space<semaphore_mem>>) attributes {dimension_semantics = [#tpu.dimension_semantics<core_parallel>, #tpu.dimension_semantics<subcore_parallel>], iteration_bounds = array<i64: 2, 16>, scalar_prefetch = 0 : i64, scratch_operands = 10 : i64, tpu.core_type = #tpu.core_type<sc_vector_subcore>, window_params = [{transform_indices = #map}, {transform_indices = #map}, {transform_indices = #map1}, {transform_indices = #map1}]} {
    %mul3A = arith.constant 2 : i32
    %mul3A_0 = arith.muli %arg1, %mul3A : i32
    %add3A = arith.addi %mul3A_0, %arg0 : i32
    %mul3A_1 = arith.constant 294912 : i32
    %mul3A_2 = arith.muli %add3A, %mul3A_1 : i32
    %add3A_3 = arith.constant 0 : i32
    %add3A_4 = arith.addi %mul3A_2, %add3A_3 : i32
    %dma_start3A = tpu.memref_slice %arg2[%add3A_4] : memref<16777216xi32, #tpu.memory_space<hbm>> -> memref<16384xi32, #tpu.memory_space<hbm>>
    %dma_start3A_5 = tpu.memref_slice %arg2[%add3A_4] : memref<16777216xi32, #tpu.memory_space<hbm>> -> memref<16384xi32, #tpu.memory_space<hbm>>
    tpu.enqueue_dma source(%dma_start3A_5 : memref<16384xi32, #tpu.memory_space<hbm>>) target(%arg6 : memref<16384xi32, #tpu.memory_space<vmem>>) target_semaphore(%arg12 : memref<!tpu.dma_semaphore, #tpu.memory_space<semaphore_mem>>)
    %dma_start3A_6 = tpu.memref_slice %arg3[%add3A_4] : memref<16777216xi32, #tpu.memory_space<hbm>> -> memref<16384xi32, #tpu.memory_space<hbm>>
    %dma_start3A_7 = tpu.memref_slice %arg3[%add3A_4] : memref<16777216xi32, #tpu.memory_space<hbm>> -> memref<16384xi32, #tpu.memory_space<hbm>>
    tpu.enqueue_dma source(%dma_start3A_7 : memref<16384xi32, #tpu.memory_space<hbm>>) target(%arg8 : memref<16384xi32, #tpu.memory_space<vmem>>) target_semaphore(%arg14 : memref<!tpu.dma_semaphore, #tpu.memory_space<semaphore_mem>>)
    %broadcast_in_dim3A = arith.constant 0 : i32
    %broadcast_in_dim3A_8 = vector.broadcast %broadcast_in_dim3A : i32 to vector<16xi32>
    %add3A_9 = arith.constant 16384 : i32
    %add3A_10 = arith.addi %mul3A_2, %add3A_9 : i32
    %dma_start3A_11 = tpu.memref_slice %arg2[%add3A_10] : memref<16777216xi32, #tpu.memory_space<hbm>> -> memref<16384xi32, #tpu.memory_space<hbm>>
    %dma_start3A_12 = tpu.memref_slice %arg2[%add3A_10] : memref<16777216xi32, #tpu.memory_space<hbm>> -> memref<16384xi32, #tpu.memory_space<hbm>>
    tpu.enqueue_dma source(%dma_start3A_12 : memref<16384xi32, #tpu.memory_space<hbm>>) target(%arg7 : memref<16384xi32, #tpu.memory_space<vmem>>) target_semaphore(%arg13 : memref<!tpu.dma_semaphore, #tpu.memory_space<semaphore_mem>>)
    %dma_start3A_13 = tpu.memref_slice %arg3[%add3A_10] : memref<16777216xi32, #tpu.memory_space<hbm>> -> memref<16384xi32, #tpu.memory_space<hbm>>
    %dma_start3A_14 = tpu.memref_slice %arg3[%add3A_10] : memref<16777216xi32, #tpu.memory_space<hbm>> -> memref<16384xi32, #tpu.memory_space<hbm>>
    tpu.enqueue_dma source(%dma_start3A_14 : memref<16384xi32, #tpu.memory_space<hbm>>) target(%arg9 : memref<16384xi32, #tpu.memory_space<vmem>>) target_semaphore(%arg15 : memref<!tpu.dma_semaphore, #tpu.memory_space<semaphore_mem>>)
    %dma_wait3A = tpu.memref_slice %arg2[%add3A_4] : memref<16777216xi32, #tpu.memory_space<hbm>> -> memref<16384xi32, #tpu.memory_space<hbm>>
    %dma_wait3A_15 = tpu.memref_slice %arg2[%add3A_4] : memref<16777216xi32, #tpu.memory_space<hbm>> -> memref<16384xi32, #tpu.memory_space<hbm>>
    tpu.wait_dma2 semaphore(%arg12 : memref<!tpu.dma_semaphore, #tpu.memory_space<semaphore_mem>>) src(%dma_wait3A_15 : memref<16384xi32, #tpu.memory_space<hbm>>) dst(%arg6 : memref<16384xi32, #tpu.memory_space<vmem>>)
    %dma_wait3A_16 = tpu.memref_slice %arg3[%add3A_4] : memref<16777216xi32, #tpu.memory_space<hbm>> -> memref<16384xi32, #tpu.memory_space<hbm>>
    %dma_wait3A_17 = tpu.memref_slice %arg3[%add3A_4] : memref<16777216xi32, #tpu.memory_space<hbm>> -> memref<16384xi32, #tpu.memory_space<hbm>>
    tpu.wait_dma2 semaphore(%arg14 : memref<!tpu.dma_semaphore, #tpu.memory_space<semaphore_mem>>) src(%dma_wait3A_17 : memref<16384xi32, #tpu.memory_space<hbm>>) dst(%arg8 : memref<16384xi32, #tpu.memory_space<vmem>>)
    %parallel_loop3A = arith.constant 0 : i32
    %parallel_loop3A_18 = arith.constant 16384 : i32
    %parallel_loop3A_19 = arith.constant 32 : i32
    %parallel_loop3A_20:4 = scf.for %parallel_loop3A_262 = %parallel_loop3A to %parallel_loop3A_18 step %parallel_loop3A_19 iter_args(%parallel_loop3A_263 = %broadcast_in_dim3A_8, %parallel_loop3A_264 = %broadcast_in_dim3A_8, %parallel_loop3A_265 = %broadcast_in_dim3A_8, %parallel_loop3A_266 = %broadcast_in_dim3A_8) -> (vector<16xi32>, vector<16xi32>, vector<16xi32>, vector<16xi32>)  : i32 {
      %parallel_loop3A_267 = arith.index_cast %parallel_loop3A_262 : i32 to index
      %parallel_loop3A_268 = tpu.vector_load %arg6[%parallel_loop3A_267] {strides = array<i32>} : memref<16384xi32, #tpu.memory_space<vmem>>, vector<16xi32>,
      %parallel_loop3A_269 = vector.shape_cast %parallel_loop3A_268 : vector<16xi32> to vector<16xi32>
      %parallel_loop3A_270 = arith.index_cast %parallel_loop3A_262 : i32 to index
      %parallel_loop3A_271 = tpu.vector_load %arg8[%parallel_loop3A_270] {strides = array<i32>} : memref<16384xi32, #tpu.memory_space<vmem>>, vector<16xi32>,
      %parallel_loop3A_272 = vector.shape_cast %parallel_loop3A_271 : vector<16xi32> to vector<16xi32>
      %parallel_loop3A_273 = arith.constant 16 : i32
      %parallel_loop3A_274 = arith.addi %parallel_loop3A_262, %parallel_loop3A_273 : i32
      %parallel_loop3A_275 = arith.index_cast %parallel_loop3A_274 : i32 to index
      %parallel_loop3A_276 = tpu.vector_load %arg6[%parallel_loop3A_275] {strides = array<i32>} : memref<16384xi32, #tpu.memory_space<vmem>>, vector<16xi32>,
      %parallel_loop3A_277 = vector.shape_cast %parallel_loop3A_276 : vector<16xi32> to vector<16xi32>
      %parallel_loop3A_278 = arith.constant 16 : i32
      %parallel_loop3A_279 = arith.addi %parallel_loop3A_262, %parallel_loop3A_278 : i32
      %parallel_loop3A_280 = arith.index_cast %parallel_loop3A_279 : i32 to index
      %parallel_loop3A_281 = tpu.vector_load %arg8[%parallel_loop3A_280] {strides = array<i32>} : memref<16384xi32, #tpu.memory_space<vmem>>, vector<16xi32>,
      %parallel_loop3A_282 = vector.shape_cast %parallel_loop3A_281 : vector<16xi32> to vector<16xi32>
      %parallel_loop3A_283 = arith.addi %parallel_loop3A_263, %parallel_loop3A_269 : vector<16xi32>
      %parallel_loop3A_284 = arith.ori %parallel_loop3A_269, %parallel_loop3A_272 : vector<16xi32>
      %parallel_loop3A_285 = arith.addi %parallel_loop3A_264, %parallel_loop3A_284 : vector<16xi32>
      %parallel_loop3A_286 = arith.addi %parallel_loop3A_265, %parallel_loop3A_277 : vector<16xi32>
      %parallel_loop3A_287 = arith.ori %parallel_loop3A_277, %parallel_loop3A_282 : vector<16xi32>
      %parallel_loop3A_288 = arith.addi %parallel_loop3A_266, %parallel_loop3A_287 : vector<16xi32>
      scf.yield %parallel_loop3A_283, %parallel_loop3A_285, %parallel_loop3A_286, %parallel_loop3A_288 : vector<16xi32>, vector<16xi32>, vector<16xi32>, vector<16xi32>
    } {sc.loop_unroll_factor = 8 : i64, sc.parallel_access}
    %add3A_21 = arith.constant 32768 : i32
    %add3A_22 = arith.addi %mul3A_2, %add3A_21 : i32
    %dma_start3A_23 = tpu.memref_slice %arg2[%add3A_22] : memref<16777216xi32, #tpu.memory_space<hbm>> -> memref<16384xi32, #tpu.memory_space<hbm>>
    %dma_start3A_24 = tpu.memref_slice %arg2[%add3A_22] : memref<16777216xi32, #tpu.memory_space<hbm>> -> memref<16384xi32, #tpu.memory_space<hbm>>
    tpu.enqueue_dma source(%dma_start3A_24 : memref<16384xi32, #tpu.memory_space<hbm>>) target(%arg6 : memref<16384xi32, #tpu.memory_space<vmem>>) target_semaphore(%arg12 : memref<!tpu.dma_semaphore, #tpu.memory_space<semaphore_mem>>)
    %dma_start3A_25 = tpu.memref_slice %arg3[%add3A_22] : memref<16777216xi32, #tpu.memory_space<hbm>> -> memref<16384xi32, #tpu.memory_space<hbm>>
    %dma_start3A_26 = tpu.memref_slice %arg3[%add3A_22] : memref<16777216xi32, #tpu.memory_space<hbm>> -> memref<16384xi32, #tpu.memory_space<hbm>>
    tpu.enqueue_dma source(%dma_start3A_26 : memref<16384xi32, #tpu.memory_space<hbm>>) target(%arg8 : memref<16384xi32, #tpu.memory_space<vmem>>) target_semaphore(%arg14 : memref<!tpu.dma_semaphore, #tpu.memory_space<semaphore_mem>>)
    %dma_wait3A_27 = tpu.memref_slice %arg2[%add3A_10] : memref<16777216xi32, #tpu.memory_space<hbm>> -> memref<16384xi32, #tpu.memory_space<hbm>>
    %dma_wait3A_28 = tpu.memref_slice %arg2[%add3A_10] : memref<16777216xi32, #tpu.memory_space<hbm>> -> memref<16384xi32, #tpu.memory_space<hbm>>
    tpu.wait_dma2 semaphore(%arg13 : memref<!tpu.dma_semaphore, #tpu.memory_space<semaphore_mem>>) src(%dma_wait3A_28 : memref<16384xi32, #tpu.memory_space<hbm>>) dst(%arg7 : memref<16384xi32, #tpu.memory_space<vmem>>)
    %dma_wait3A_29 = tpu.memref_slice %arg3[%add3A_10] : memref<16777216xi32, #tpu.memory_space<hbm>> -> memref<16384xi32, #tpu.memory_space<hbm>>
    %dma_wait3A_30 = tpu.memref_slice %arg3[%add3A_10] : memref<16777216xi32, #tpu.memory_space<hbm>> -> memref<16384xi32, #tpu.memory_space<hbm>>
    tpu.wait_dma2 semaphore(%arg15 : memref<!tpu.dma_semaphore, #tpu.memory_space<semaphore_mem>>) src(%dma_wait3A_30 : memref<16384xi32, #tpu.memory_space<hbm>>) dst(%arg9 : memref<16384xi32, #tpu.memory_space<vmem>>)
    %parallel_loop3A_31 = arith.constant 0 : i32
    %parallel_loop3A_32 = arith.constant 16384 : i32
    %parallel_loop3A_33 = arith.constant 32 : i32
    %parallel_loop3A_34:4 = scf.for %parallel_loop3A_262 = %parallel_loop3A_31 to %parallel_loop3A_32 step %parallel_loop3A_33 iter_args(%parallel_loop3A_263 = %parallel_loop3A_20#0, %parallel_loop3A_264 = %parallel_loop3A_20#1, %parallel_loop3A_265 = %parallel_loop3A_20#2, %parallel_loop3A_266 = %parallel_loop3A_20#3) -> (vector<16xi32>, vector<16xi32>, vector<16xi32>, vector<16xi32>)  : i32 {
      %parallel_loop3A_267 = arith.index_cast %parallel_loop3A_262 : i32 to index
      %parallel_loop3A_268 = tpu.vector_load %arg7[%parallel_loop3A_267] {strides = array<i32>} : memref<16384xi32, #tpu.memory_space<vmem>>, vector<16xi32>,
      %parallel_loop3A_269 = vector.shape_cast %parallel_loop3A_268 : vector<16xi32> to vector<16xi32>
      %parallel_loop3A_270 = arith.index_cast %parallel_loop3A_262 : i32 to index
      %parallel_loop3A_271 = tpu.vector_load %arg9[%parallel_loop3A_270] {strides = array<i32>} : memref<16384xi32, #tpu.memory_space<vmem>>, vector<16xi32>,
      %parallel_loop3A_272 = vector.shape_cast %parallel_loop3A_271 : vector<16xi32> to vector<16xi32>
      %parallel_loop3A_273 = arith.constant 16 : i32
      %parallel_loop3A_274 = arith.addi %parallel_loop3A_262, %parallel_loop3A_273 : i32
      %parallel_loop3A_275 = arith.index_cast %parallel_loop3A_274 : i32 to index
      %parallel_loop3A_276 = tpu.vector_load %arg7[%parallel_loop3A_275] {strides = array<i32>} : memref<16384xi32, #tpu.memory_space<vmem>>, vector<16xi32>,
      %parallel_loop3A_277 = vector.shape_cast %parallel_loop3A_276 : vector<16xi32> to vector<16xi32>
      %parallel_loop3A_278 = arith.constant 16 : i32
      %parallel_loop3A_279 = arith.addi %parallel_loop3A_262, %parallel_loop3A_278 : i32
      %parallel_loop3A_280 = arith.index_cast %parallel_loop3A_279 : i32 to index
      %parallel_loop3A_281 = tpu.vector_load %arg9[%parallel_loop3A_280] {strides = array<i32>} : memref<16384xi32, #tpu.memory_space<vmem>>, vector<16xi32>,
      %parallel_loop3A_282 = vector.shape_cast %parallel_loop3A_281 : vector<16xi32> to vector<16xi32>
      %parallel_loop3A_283 = arith.addi %parallel_loop3A_263, %parallel_loop3A_269 : vector<16xi32>
      %parallel_loop3A_284 = arith.ori %parallel_loop3A_269, %parallel_loop3A_272 : vector<16xi32>
      %parallel_loop3A_285 = arith.addi %parallel_loop3A_264, %parallel_loop3A_284 : vector<16xi32>
      %parallel_loop3A_286 = arith.addi %parallel_loop3A_265, %parallel_loop3A_277 : vector<16xi32>
      %parallel_loop3A_287 = arith.ori %parallel_loop3A_277, %parallel_loop3A_282 : vector<16xi32>
      %parallel_loop3A_288 = arith.addi %parallel_loop3A_266, %parallel_loop3A_287 : vector<16xi32>
      scf.yield %parallel_loop3A_283, %parallel_loop3A_285, %parallel_loop3A_286, %parallel_loop3A_288 : vector<16xi32>, vector<16xi32>, vector<16xi32>, vector<16xi32>
    } {sc.loop_unroll_factor = 8 : i64, sc.parallel_access}
    %add3A_35 = arith.constant 49152 : i32
    %add3A_36 = arith.addi %mul3A_2, %add3A_35 : i32
    %dma_start3A_37 = tpu.memref_slice %arg2[%add3A_36] : memref<16777216xi32, #tpu.memory_space<hbm>> -> memref<16384xi32, #tpu.memory_space<hbm>>
    %dma_start3A_38 = tpu.memref_slice %arg2[%add3A_36] : memref<16777216xi32, #tpu.memory_space<hbm>> -> memref<16384xi32, #tpu.memory_space<hbm>>
    tpu.enqueue_dma source(%dma_start3A_38 : memref<16384xi32, #tpu.memory_space<hbm>>) target(%arg7 : memref<16384xi32, #tpu.memory_space<vmem>>) target_semaphore(%arg13 : memref<!tpu.dma_semaphore, #tpu.memory_space<semaphore_mem>>)
    %dma_start3A_39 = tpu.memref_slice %arg3[%add3A_36] : memref<16777216xi32, #tpu.memory_space<hbm>> -> memref<16384xi32, #tpu.memory_space<hbm>>
    %dma_start3A_40 = tpu.memref_slice %arg3[%add3A_36] : memref<16777216xi32, #tpu.memory_space<hbm>> -> memref<16384xi32, #tpu.memory_space<hbm>>
    tpu.enqueue_dma source(%dma_start3A_40 : memref<16384xi32, #tpu.memory_space<hbm>>) target(%arg9 : memref<16384xi32, #tpu.memory_space<vmem>>) target_semaphore(%arg15 : memref<!tpu.dma_semaphore, #tpu.memory_space<semaphore_mem>>)
    %dma_wait3A_41 = tpu.memref_slice %arg2[%add3A_22] : memref<16777216xi32, #tpu.memory_space<hbm>> -> memref<16384xi32, #tpu.memory_space<hbm>>
    %dma_wait3A_42 = tpu.memref_slice %arg2[%add3A_22] : memref<16777216xi32, #tpu.memory_space<hbm>> -> memref<16384xi32, #tpu.memory_space<hbm>>
    tpu.wait_dma2 semaphore(%arg12 : memref<!tpu.dma_semaphore, #tpu.memory_space<semaphore_mem>>) src(%dma_wait3A_42 : memref<16384xi32, #tpu.memory_space<hbm>>) dst(%arg6 : memref<16384xi32, #tpu.memory_space<vmem>>)
    %dma_wait3A_43 = tpu.memref_slice %arg3[%add3A_22] : memref<16777216xi32, #tpu.memory_space<hbm>> -> memref<16384xi32, #tpu.memory_space<hbm>>
    %dma_wait3A_44 = tpu.memref_slice %arg3[%add3A_22] : memref<16777216xi32, #tpu.memory_space<hbm>> -> memref<16384xi32, #tpu.memory_space<hbm>>
    tpu.wait_dma2 semaphore(%arg14 : memref<!tpu.dma_semaphore, #tpu.memory_space<semaphore_mem>>) src(%dma_wait3A_44 : memref<16384xi32, #tpu.memory_space<hbm>>) dst(%arg8 : memref<16384xi32, #tpu.memory_space<vmem>>)
    %parallel_loop3A_45 = arith.constant 0 : i32
    %parallel_loop3A_46 = arith.constant 16384 : i32
    %parallel_loop3A_47 = arith.constant 32 : i32
    %parallel_loop3A_48:4 = scf.for %parallel_loop3A_262 = %parallel_loop3A_45 to %parallel_loop3A_46 step %parallel_loop3A_47 iter_args(%parallel_loop3A_263 = %parallel_loop3A_34#0, %parallel_loop3A_264 = %parallel_loop3A_34#1, %parallel_loop3A_265 = %parallel_loop3A_34#2, %parallel_loop3A_266 = %parallel_loop3A_34#3) -> (vector<16xi32>, vector<16xi32>, vector<16xi32>, vector<16xi32>)  : i32 {
      %parallel_loop3A_267 = arith.index_cast %parallel_loop3A_262 : i32 to index
      %parallel_loop3A_268 = tpu.vector_load %arg6[%parallel_loop3A_267] {strides = array<i32>} : memref<16384xi32, #tpu.memory_space<vmem>>, vector<16xi32>,
      %parallel_loop3A_269 = vector.shape_cast %parallel_loop3A_268 : vector<16xi32> to vector<16xi32>
      %parallel_loop3A_270 = arith.index_cast %parallel_loop3A_262 : i32 to index
      %parallel_loop3A_271 = tpu.vector_load %arg8[%parallel_loop3A_270] {strides = array<i32>} : memref<16384xi32, #tpu.memory_space<vmem>>, vector<16xi32>,
      %parallel_loop3A_272 = vector.shape_cast %parallel_loop3A_271 : vector<16xi32> to vector<16xi32>
      %parallel_loop3A_273 = arith.constant 16 : i32
      %parallel_loop3A_274 = arith.addi %parallel_loop3A_262, %parallel_loop3A_273 : i32
      %parallel_loop3A_275 = arith.index_cast %parallel_loop3A_274 : i32 to index
      %parallel_loop3A_276 = tpu.vector_load %arg6[%parallel_loop3A_275] {strides = array<i32>} : memref<16384xi32, #tpu.memory_space<vmem>>, vector<16xi32>,
      %parallel_loop3A_277 = vector.shape_cast %parallel_loop3A_276 : vector<16xi32> to vector<16xi32>
      %parallel_loop3A_278 = arith.constant 16 : i32
      %parallel_loop3A_279 = arith.addi %parallel_loop3A_262, %parallel_loop3A_278 : i32
      %parallel_loop3A_280 = arith.index_cast %parallel_loop3A_279 : i32 to index
      %parallel_loop3A_281 = tpu.vector_load %arg8[%parallel_loop3A_280] {strides = array<i32>} : memref<16384xi32, #tpu.memory_space<vmem>>, vector<16xi32>,
      %parallel_loop3A_282 = vector.shape_cast %parallel_loop3A_281 : vector<16xi32> to vector<16xi32>
      %parallel_loop3A_283 = arith.addi %parallel_loop3A_263, %parallel_loop3A_269 : vector<16xi32>
      %parallel_loop3A_284 = arith.ori %parallel_loop3A_269, %parallel_loop3A_272 : vector<16xi32>
      %parallel_loop3A_285 = arith.addi %parallel_loop3A_264, %parallel_loop3A_284 : vector<16xi32>
      %parallel_loop3A_286 = arith.addi %parallel_loop3A_265, %parallel_loop3A_277 : vector<16xi32>
      %parallel_loop3A_287 = arith.ori %parallel_loop3A_277, %parallel_loop3A_282 : vector<16xi32>
      %parallel_loop3A_288 = arith.addi %parallel_loop3A_266, %parallel_loop3A_287 : vector<16xi32>
      scf.yield %parallel_loop3A_283, %parallel_loop3A_285, %parallel_loop3A_286, %parallel_loop3A_288 : vector<16xi32>, vector<16xi32>, vector<16xi32>, vector<16xi32>
    } {sc.loop_unroll_factor = 8 : i64, sc.parallel_access}
    %add3A_49 = arith.constant 65536 : i32
    %add3A_50 = arith.addi %mul3A_2, %add3A_49 : i32
    %dma_start3A_51 = tpu.memref_slice %arg2[%add3A_50] : memref<16777216xi32, #tpu.memory_space<hbm>> -> memref<16384xi32, #tpu.memory_space<hbm>>
    %dma_start3A_52 = tpu.memref_slice %arg2[%add3A_50] : memref<16777216xi32, #tpu.memory_space<hbm>> -> memref<16384xi32, #tpu.memory_space<hbm>>
    tpu.enqueue_dma source(%dma_start3A_52 : memref<16384xi32, #tpu.memory_space<hbm>>) target(%arg6 : memref<16384xi32, #tpu.memory_space<vmem>>) target_semaphore(%arg12 : memref<!tpu.dma_semaphore, #tpu.memory_space<semaphore_mem>>)
    %dma_start3A_53 = tpu.memref_slice %arg3[%add3A_50] : memref<16777216xi32, #tpu.memory_space<hbm>> -> memref<16384xi32, #tpu.memory_space<hbm>>
    %dma_start3A_54 = tpu.memref_slice %arg3[%add3A_50] : memref<16777216xi32, #tpu.memory_space<hbm>> -> memref<16384xi32, #tpu.memory_space<hbm>>
    tpu.enqueue_dma source(%dma_start3A_54 : memref<16384xi32, #tpu.memory_space<hbm>>) target(%arg8 : memref<16384xi32, #tpu.memory_space<vmem>>) target_semaphore(%arg14 : memref<!tpu.dma_semaphore, #tpu.memory_space<semaphore_mem>>)
    %dma_wait3A_55 = tpu.memref_slice %arg2[%add3A_36] : memref<16777216xi32, #tpu.memory_space<hbm>> -> memref<16384xi32, #tpu.memory_space<hbm>>
    %dma_wait3A_56 = tpu.memref_slice %arg2[%add3A_36] : memref<16777216xi32, #tpu.memory_space<hbm>> -> memref<16384xi32, #tpu.memory_space<hbm>>
    tpu.wait_dma2 semaphore(%arg13 : memref<!tpu.dma_semaphore, #tpu.memory_space<semaphore_mem>>) src(%dma_wait3A_56 : memref<16384xi32, #tpu.memory_space<hbm>>) dst(%arg7 : memref<16384xi32, #tpu.memory_space<vmem>>)
    %dma_wait3A_57 = tpu.memref_slice %arg3[%add3A_36] : memref<16777216xi32, #tpu.memory_space<hbm>> -> memref<16384xi32, #tpu.memory_space<hbm>>
    %dma_wait3A_58 = tpu.memref_slice %arg3[%add3A_36] : memref<16777216xi32, #tpu.memory_space<hbm>> -> memref<16384xi32, #tpu.memory_space<hbm>>
    tpu.wait_dma2 semaphore(%arg15 : memref<!tpu.dma_semaphore, #tpu.memory_space<semaphore_mem>>) src(%dma_wait3A_58 : memref<16384xi32, #tpu.memory_space<hbm>>) dst(%arg9 : memref<16384xi32, #tpu.memory_space<vmem>>)
    %parallel_loop3A_59 = arith.constant 0 : i32
    %parallel_loop3A_60 = arith.constant 16384 : i32
    %parallel_loop3A_61 = arith.constant 32 : i32
    %parallel_loop3A_62:4 = scf.for %parallel_loop3A_262 = %parallel_loop3A_59 to %parallel_loop3A_60 step %parallel_loop3A_61 iter_args(%parallel_loop3A_263 = %parallel_loop3A_48#0, %parallel_loop3A_264 = %parallel_loop3A_48#1, %parallel_loop3A_265 = %parallel_loop3A_48#2, %parallel_loop3A_266 = %parallel_loop3A_48#3) -> (vector<16xi32>, vector<16xi32>, vector<16xi32>, vector<16xi32>)  : i32 {
      %parallel_loop3A_267 = arith.index_cast %parallel_loop3A_262 : i32 to index
      %parallel_loop3A_268 = tpu.vector_load %arg7[%parallel_loop3A_267] {strides = array<i32>} : memref<16384xi32, #tpu.memory_space<vmem>>, vector<16xi32>,
      %parallel_loop3A_269 = vector.shape_cast %parallel_loop3A_268 : vector<16xi32> to vector<16xi32>
      %parallel_loop3A_270 = arith.index_cast %parallel_loop3A_262 : i32 to index
      %parallel_loop3A_271 = tpu.vector_load %arg9[%parallel_loop3A_270] {strides = array<i32>} : memref<16384xi32, #tpu.memory_space<vmem>>, vector<16xi32>,
      %parallel_loop3A_272 = vector.shape_cast %parallel_loop3A_271 : vector<16xi32> to vector<16xi32>
      %parallel_loop3A_273 = arith.constant 16 : i32
      %parallel_loop3A_274 = arith.addi %parallel_loop3A_262, %parallel_loop3A_273 : i32
      %parallel_loop3A_275 = arith.index_cast %parallel_loop3A_274 : i32 to index
      %parallel_loop3A_276 = tpu.vector_load %arg7[%parallel_loop3A_275] {strides = array<i32>} : memref<16384xi32, #tpu.memory_space<vmem>>, vector<16xi32>,
      %parallel_loop3A_277 = vector.shape_cast %parallel_loop3A_276 : vector<16xi32> to vector<16xi32>
      %parallel_loop3A_278 = arith.constant 16 : i32
      %parallel_loop3A_279 = arith.addi %parallel_loop3A_262, %parallel_loop3A_278 : i32
      %parallel_loop3A_280 = arith.index_cast %parallel_loop3A_279 : i32 to index
      %parallel_loop3A_281 = tpu.vector_load %arg9[%parallel_loop3A_280] {strides = array<i32>} : memref<16384xi32, #tpu.memory_space<vmem>>, vector<16xi32>,
      %parallel_loop3A_282 = vector.shape_cast %parallel_loop3A_281 : vector<16xi32> to vector<16xi32>
      %parallel_loop3A_283 = arith.addi %parallel_loop3A_263, %parallel_loop3A_269 : vector<16xi32>
      %parallel_loop3A_284 = arith.ori %parallel_loop3A_269, %parallel_loop3A_272 : vector<16xi32>
      %parallel_loop3A_285 = arith.addi %parallel_loop3A_264, %parallel_loop3A_284 : vector<16xi32>
      %parallel_loop3A_286 = arith.addi %parallel_loop3A_265, %parallel_loop3A_277 : vector<16xi32>
      %parallel_loop3A_287 = arith.ori %parallel_loop3A_277, %parallel_loop3A_282 : vector<16xi32>
      %parallel_loop3A_288 = arith.addi %parallel_loop3A_266, %parallel_loop3A_287 : vector<16xi32>
      scf.yield %parallel_loop3A_283, %parallel_loop3A_285, %parallel_loop3A_286, %parallel_loop3A_288 : vector<16xi32>, vector<16xi32>, vector<16xi32>, vector<16xi32>
    } {sc.loop_unroll_factor = 8 : i64, sc.parallel_access}
    %add3A_63 = arith.constant 81920 : i32
    %add3A_64 = arith.addi %mul3A_2, %add3A_63 : i32
    %dma_start3A_65 = tpu.memref_slice %arg2[%add3A_64] : memref<16777216xi32, #tpu.memory_space<hbm>> -> memref<16384xi32, #tpu.memory_space<hbm>>
    %dma_start3A_66 = tpu.memref_slice %arg2[%add3A_64] : memref<16777216xi32, #tpu.memory_space<hbm>> -> memref<16384xi32, #tpu.memory_space<hbm>>
    tpu.enqueue_dma source(%dma_start3A_66 : memref<16384xi32, #tpu.memory_space<hbm>>) target(%arg7 : memref<16384xi32, #tpu.memory_space<vmem>>) target_semaphore(%arg13 : memref<!tpu.dma_semaphore, #tpu.memory_space<semaphore_mem>>)
    %dma_start3A_67 = tpu.memref_slice %arg3[%add3A_64] : memref<16777216xi32, #tpu.memory_space<hbm>> -> memref<16384xi32, #tpu.memory_space<hbm>>
    %dma_start3A_68 = tpu.memref_slice %arg3[%add3A_64] : memref<16777216xi32, #tpu.memory_space<hbm>> -> memref<16384xi32, #tpu.memory_space<hbm>>
    tpu.enqueue_dma source(%dma_start3A_68 : memref<16384xi32, #tpu.memory_space<hbm>>) target(%arg9 : memref<16384xi32, #tpu.memory_space<vmem>>) target_semaphore(%arg15 : memref<!tpu.dma_semaphore, #tpu.memory_space<semaphore_mem>>)
    %dma_wait3A_69 = tpu.memref_slice %arg2[%add3A_50] : memref<16777216xi32, #tpu.memory_space<hbm>> -> memref<16384xi32, #tpu.memory_space<hbm>>
    %dma_wait3A_70 = tpu.memref_slice %arg2[%add3A_50] : memref<16777216xi32, #tpu.memory_space<hbm>> -> memref<16384xi32, #tpu.memory_space<hbm>>
    tpu.wait_dma2 semaphore(%arg12 : memref<!tpu.dma_semaphore, #tpu.memory_space<semaphore_mem>>) src(%dma_wait3A_70 : memref<16384xi32, #tpu.memory_space<hbm>>) dst(%arg6 : memref<16384xi32, #tpu.memory_space<vmem>>)
    %dma_wait3A_71 = tpu.memref_slice %arg3[%add3A_50] : memref<16777216xi32, #tpu.memory_space<hbm>> -> memref<16384xi32, #tpu.memory_space<hbm>>
    %dma_wait3A_72 = tpu.memref_slice %arg3[%add3A_50] : memref<16777216xi32, #tpu.memory_space<hbm>> -> memref<16384xi32, #tpu.memory_space<hbm>>
    tpu.wait_dma2 semaphore(%arg14 : memref<!tpu.dma_semaphore, #tpu.memory_space<semaphore_mem>>) src(%dma_wait3A_72 : memref<16384xi32, #tpu.memory_space<hbm>>) dst(%arg8 : memref<16384xi32, #tpu.memory_space<vmem>>)
    %parallel_loop3A_73 = arith.constant 0 : i32
    %parallel_loop3A_74 = arith.constant 16384 : i32
    %parallel_loop3A_75 = arith.constant 32 : i32
    %parallel_loop3A_76:4 = scf.for %parallel_loop3A_262 = %parallel_loop3A_73 to %parallel_loop3A_74 step %parallel_loop3A_75 iter_args(%parallel_loop3A_263 = %parallel_loop3A_62#0, %parallel_loop3A_264 = %parallel_loop3A_62#1, %parallel_loop3A_265 = %parallel_loop3A_62#2, %parallel_loop3A_266 = %parallel_loop3A_62#3) -> (vector<16xi32>, vector<16xi32>, vector<16xi32>, vector<16xi32>)  : i32 {
      %parallel_loop3A_267 = arith.index_cast %parallel_loop3A_262 : i32 to index
      %parallel_loop3A_268 = tpu.vector_load %arg6[%parallel_loop3A_267] {strides = array<i32>} : memref<16384xi32, #tpu.memory_space<vmem>>, vector<16xi32>,
      %parallel_loop3A_269 = vector.shape_cast %parallel_loop3A_268 : vector<16xi32> to vector<16xi32>
      %parallel_loop3A_270 = arith.index_cast %parallel_loop3A_262 : i32 to index
      %parallel_loop3A_271 = tpu.vector_load %arg8[%parallel_loop3A_270] {strides = array<i32>} : memref<16384xi32, #tpu.memory_space<vmem>>, vector<16xi32>,
      %parallel_loop3A_272 = vector.shape_cast %parallel_loop3A_271 : vector<16xi32> to vector<16xi32>
      %parallel_loop3A_273 = arith.constant 16 : i32
      %parallel_loop3A_274 = arith.addi %parallel_loop3A_262, %parallel_loop3A_273 : i32
      %parallel_loop3A_275 = arith.index_cast %parallel_loop3A_274 : i32 to index
      %parallel_loop3A_276 = tpu.vector_load %arg6[%parallel_loop3A_275] {strides = array<i32>} : memref<16384xi32, #tpu.memory_space<vmem>>, vector<16xi32>,
      %parallel_loop3A_277 = vector.shape_cast %parallel_loop3A_276 : vector<16xi32> to vector<16xi32>
      %parallel_loop3A_278 = arith.constant 16 : i32
      %parallel_loop3A_279 = arith.addi %parallel_loop3A_262, %parallel_loop3A_278 : i32
      %parallel_loop3A_280 = arith.index_cast %parallel_loop3A_279 : i32 to index
      %parallel_loop3A_281 = tpu.vector_load %arg8[%parallel_loop3A_280] {strides = array<i32>} : memref<16384xi32, #tpu.memory_space<vmem>>, vector<16xi32>,
      %parallel_loop3A_282 = vector.shape_cast %parallel_loop3A_281 : vector<16xi32> to vector<16xi32>
      %parallel_loop3A_283 = arith.addi %parallel_loop3A_263, %parallel_loop3A_269 : vector<16xi32>
      %parallel_loop3A_284 = arith.ori %parallel_loop3A_269, %parallel_loop3A_272 : vector<16xi32>
      %parallel_loop3A_285 = arith.addi %parallel_loop3A_264, %parallel_loop3A_284 : vector<16xi32>
      %parallel_loop3A_286 = arith.addi %parallel_loop3A_265, %parallel_loop3A_277 : vector<16xi32>
      %parallel_loop3A_287 = arith.ori %parallel_loop3A_277, %parallel_loop3A_282 : vector<16xi32>
      %parallel_loop3A_288 = arith.addi %parallel_loop3A_266, %parallel_loop3A_287 : vector<16xi32>
      scf.yield %parallel_loop3A_283, %parallel_loop3A_285, %parallel_loop3A_286, %parallel_loop3A_288 : vector<16xi32>, vector<16xi32>, vector<16xi32>, vector<16xi32>
    } {sc.loop_unroll_factor = 8 : i64, sc.parallel_access}
    %add3A_77 = arith.constant 98304 : i32
    %add3A_78 = arith.addi %mul3A_2, %add3A_77 : i32
    %dma_start3A_79 = tpu.memref_slice %arg2[%add3A_78] : memref<16777216xi32, #tpu.memory_space<hbm>> -> memref<16384xi32, #tpu.memory_space<hbm>>
    %dma_start3A_80 = tpu.memref_slice %arg2[%add3A_78] : memref<16777216xi32, #tpu.memory_space<hbm>> -> memref<16384xi32, #tpu.memory_space<hbm>>
    tpu.enqueue_dma source(%dma_start3A_80 : memref<16384xi32, #tpu.memory_space<hbm>>) target(%arg6 : memref<16384xi32, #tpu.memory_space<vmem>>) target_semaphore(%arg12 : memref<!tpu.dma_semaphore, #tpu.memory_space<semaphore_mem>>)
    %dma_start3A_81 = tpu.memref_slice %arg3[%add3A_78] : memref<16777216xi32, #tpu.memory_space<hbm>> -> memref<16384xi32, #tpu.memory_space<hbm>>
    %dma_start3A_82 = tpu.memref_slice %arg3[%add3A_78] : memref<16777216xi32, #tpu.memory_space<hbm>> -> memref<16384xi32, #tpu.memory_space<hbm>>
    tpu.enqueue_dma source(%dma_start3A_82 : memref<16384xi32, #tpu.memory_space<hbm>>) target(%arg8 : memref<16384xi32, #tpu.memory_space<vmem>>) target_semaphore(%arg14 : memref<!tpu.dma_semaphore, #tpu.memory_space<semaphore_mem>>)
    %dma_wait3A_83 = tpu.memref_slice %arg2[%add3A_64] : memref<16777216xi32, #tpu.memory_space<hbm>> -> memref<16384xi32, #tpu.memory_space<hbm>>
    %dma_wait3A_84 = tpu.memref_slice %arg2[%add3A_64] : memref<16777216xi32, #tpu.memory_space<hbm>> -> memref<16384xi32, #tpu.memory_space<hbm>>
    tpu.wait_dma2 semaphore(%arg13 : memref<!tpu.dma_semaphore, #tpu.memory_space<semaphore_mem>>) src(%dma_wait3A_84 : memref<16384xi32, #tpu.memory_space<hbm>>) dst(%arg7 : memref<16384xi32, #tpu.memory_space<vmem>>)
    %dma_wait3A_85 = tpu.memref_slice %arg3[%add3A_64] : memref<16777216xi32, #tpu.memory_space<hbm>> -> memref<16384xi32, #tpu.memory_space<hbm>>
    %dma_wait3A_86 = tpu.memref_slice %arg3[%add3A_64] : memref<16777216xi32, #tpu.memory_space<hbm>> -> memref<16384xi32, #tpu.memory_space<hbm>>
    tpu.wait_dma2 semaphore(%arg15 : memref<!tpu.dma_semaphore, #tpu.memory_space<semaphore_mem>>) src(%dma_wait3A_86 : memref<16384xi32, #tpu.memory_space<hbm>>) dst(%arg9 : memref<16384xi32, #tpu.memory_space<vmem>>)
    %parallel_loop3A_87 = arith.constant 0 : i32
    %parallel_loop3A_88 = arith.constant 16384 : i32
    %parallel_loop3A_89 = arith.constant 32 : i32
    %parallel_loop3A_90:4 = scf.for %parallel_loop3A_262 = %parallel_loop3A_87 to %parallel_loop3A_88 step %parallel_loop3A_89 iter_args(%parallel_loop3A_263 = %parallel_loop3A_76#0, %parallel_loop3A_264 = %parallel_loop3A_76#1, %parallel_loop3A_265 = %parallel_loop3A_76#2, %parallel_loop3A_266 = %parallel_loop3A_76#3) -> (vector<16xi32>, vector<16xi32>, vector<16xi32>, vector<16xi32>)  : i32 {
      %parallel_loop3A_267 = arith.index_cast %parallel_loop3A_262 : i32 to index
      %parallel_loop3A_268 = tpu.vector_load %arg7[%parallel_loop3A_267] {strides = array<i32>} : memref<16384xi32, #tpu.memory_space<vmem>>, vector<16xi32>,
      %parallel_loop3A_269 = vector.shape_cast %parallel_loop3A_268 : vector<16xi32> to vector<16xi32>
      %parallel_loop3A_270 = arith.index_cast %parallel_loop3A_262 : i32 to index
      %parallel_loop3A_271 = tpu.vector_load %arg9[%parallel_loop3A_270] {strides = array<i32>} : memref<16384xi32, #tpu.memory_space<vmem>>, vector<16xi32>,
      %parallel_loop3A_272 = vector.shape_cast %parallel_loop3A_271 : vector<16xi32> to vector<16xi32>
      %parallel_loop3A_273 = arith.constant 16 : i32
      %parallel_loop3A_274 = arith.addi %parallel_loop3A_262, %parallel_loop3A_273 : i32
      %parallel_loop3A_275 = arith.index_cast %parallel_loop3A_274 : i32 to index
      %parallel_loop3A_276 = tpu.vector_load %arg7[%parallel_loop3A_275] {strides = array<i32>} : memref<16384xi32, #tpu.memory_space<vmem>>, vector<16xi32>,
      %parallel_loop3A_277 = vector.shape_cast %parallel_loop3A_276 : vector<16xi32> to vector<16xi32>
      %parallel_loop3A_278 = arith.constant 16 : i32
      %parallel_loop3A_279 = arith.addi %parallel_loop3A_262, %parallel_loop3A_278 : i32
      %parallel_loop3A_280 = arith.index_cast %parallel_loop3A_279 : i32 to index
      %parallel_loop3A_281 = tpu.vector_load %arg9[%parallel_loop3A_280] {strides = array<i32>} : memref<16384xi32, #tpu.memory_space<vmem>>, vector<16xi32>,
      %parallel_loop3A_282 = vector.shape_cast %parallel_loop3A_281 : vector<16xi32> to vector<16xi32>
      %parallel_loop3A_283 = arith.addi %parallel_loop3A_263, %parallel_loop3A_269 : vector<16xi32>
      %parallel_loop3A_284 = arith.ori %parallel_loop3A_269, %parallel_loop3A_272 : vector<16xi32>
      %parallel_loop3A_285 = arith.addi %parallel_loop3A_264, %parallel_loop3A_284 : vector<16xi32>
      %parallel_loop3A_286 = arith.addi %parallel_loop3A_265, %parallel_loop3A_277 : vector<16xi32>
      %parallel_loop3A_287 = arith.ori %parallel_loop3A_277, %parallel_loop3A_282 : vector<16xi32>
      %parallel_loop3A_288 = arith.addi %parallel_loop3A_266, %parallel_loop3A_287 : vector<16xi32>
      scf.yield %parallel_loop3A_283, %parallel_loop3A_285, %parallel_loop3A_286, %parallel_loop3A_288 : vector<16xi32>, vector<16xi32>, vector<16xi32>, vector<16xi32>
    } {sc.loop_unroll_factor = 8 : i64, sc.parallel_access}
    %add3A_91 = arith.constant 114688 : i32
    %add3A_92 = arith.addi %mul3A_2, %add3A_91 : i32
    %dma_start3A_93 = tpu.memref_slice %arg2[%add3A_92] : memref<16777216xi32, #tpu.memory_space<hbm>> -> memref<16384xi32, #tpu.memory_space<hbm>>
    %dma_start3A_94 = tpu.memref_slice %arg2[%add3A_92] : memref<16777216xi32, #tpu.memory_space<hbm>> -> memref<16384xi32, #tpu.memory_space<hbm>>
    tpu.enqueue_dma source(%dma_start3A_94 : memref<16384xi32, #tpu.memory_space<hbm>>) target(%arg7 : memref<16384xi32, #tpu.memory_space<vmem>>) target_semaphore(%arg13 : memref<!tpu.dma_semaphore, #tpu.memory_space<semaphore_mem>>)
    %dma_start3A_95 = tpu.memref_slice %arg3[%add3A_92] : memref<16777216xi32, #tpu.memory_space<hbm>> -> memref<16384xi32, #tpu.memory_space<hbm>>
    %dma_start3A_96 = tpu.memref_slice %arg3[%add3A_92] : memref<16777216xi32, #tpu.memory_space<hbm>> -> memref<16384xi32, #tpu.memory_space<hbm>>
    tpu.enqueue_dma source(%dma_start3A_96 : memref<16384xi32, #tpu.memory_space<hbm>>) target(%arg9 : memref<16384xi32, #tpu.memory_space<vmem>>) target_semaphore(%arg15 : memref<!tpu.dma_semaphore, #tpu.memory_space<semaphore_mem>>)
    %dma_wait3A_97 = tpu.memref_slice %arg2[%add3A_78] : memref<16777216xi32, #tpu.memory_space<hbm>> -> memref<16384xi32, #tpu.memory_space<hbm>>
    %dma_wait3A_98 = tpu.memref_slice %arg2[%add3A_78] : memref<16777216xi32, #tpu.memory_space<hbm>> -> memref<16384xi32, #tpu.memory_space<hbm>>
    tpu.wait_dma2 semaphore(%arg12 : memref<!tpu.dma_semaphore, #tpu.memory_space<semaphore_mem>>) src(%dma_wait3A_98 : memref<16384xi32, #tpu.memory_space<hbm>>) dst(%arg6 : memref<16384xi32, #tpu.memory_space<vmem>>)
    %dma_wait3A_99 = tpu.memref_slice %arg3[%add3A_78] : memref<16777216xi32, #tpu.memory_space<hbm>> -> memref<16384xi32, #tpu.memory_space<hbm>>
    %dma_wait3A_100 = tpu.memref_slice %arg3[%add3A_78] : memref<16777216xi32, #tpu.memory_space<hbm>> -> memref<16384xi32, #tpu.memory_space<hbm>>
    tpu.wait_dma2 semaphore(%arg14 : memref<!tpu.dma_semaphore, #tpu.memory_space<semaphore_mem>>) src(%dma_wait3A_100 : memref<16384xi32, #tpu.memory_space<hbm>>) dst(%arg8 : memref<16384xi32, #tpu.memory_space<vmem>>)
    %parallel_loop3A_101 = arith.constant 0 : i32
    %parallel_loop3A_102 = arith.constant 16384 : i32
    %parallel_loop3A_103 = arith.constant 32 : i32
    %parallel_loop3A_104:4 = scf.for %parallel_loop3A_262 = %parallel_loop3A_101 to %parallel_loop3A_102 step %parallel_loop3A_103 iter_args(%parallel_loop3A_263 = %parallel_loop3A_90#0, %parallel_loop3A_264 = %parallel_loop3A_90#1, %parallel_loop3A_265 = %parallel_loop3A_90#2, %parallel_loop3A_266 = %parallel_loop3A_90#3) -> (vector<16xi32>, vector<16xi32>, vector<16xi32>, vector<16xi32>)  : i32 {
      %parallel_loop3A_267 = arith.index_cast %parallel_loop3A_262 : i32 to index
      %parallel_loop3A_268 = tpu.vector_load %arg6[%parallel_loop3A_267] {strides = array<i32>} : memref<16384xi32, #tpu.memory_space<vmem>>, vector<16xi32>,
      %parallel_loop3A_269 = vector.shape_cast %parallel_loop3A_268 : vector<16xi32> to vector<16xi32>
      %parallel_loop3A_270 = arith.index_cast %parallel_loop3A_262 : i32 to index
      %parallel_loop3A_271 = tpu.vector_load %arg8[%parallel_loop3A_270] {strides = array<i32>} : memref<16384xi32, #tpu.memory_space<vmem>>, vector<16xi32>,
      %parallel_loop3A_272 = vector.shape_cast %parallel_loop3A_271 : vector<16xi32> to vector<16xi32>
      %parallel_loop3A_273 = arith.constant 16 : i32
      %parallel_loop3A_274 = arith.addi %parallel_loop3A_262, %parallel_loop3A_273 : i32
      %parallel_loop3A_275 = arith.index_cast %parallel_loop3A_274 : i32 to index
      %parallel_loop3A_276 = tpu.vector_load %arg6[%parallel_loop3A_275] {strides = array<i32>} : memref<16384xi32, #tpu.memory_space<vmem>>, vector<16xi32>,
      %parallel_loop3A_277 = vector.shape_cast %parallel_loop3A_276 : vector<16xi32> to vector<16xi32>
      %parallel_loop3A_278 = arith.constant 16 : i32
      %parallel_loop3A_279 = arith.addi %parallel_loop3A_262, %parallel_loop3A_278 : i32
      %parallel_loop3A_280 = arith.index_cast %parallel_loop3A_279 : i32 to index
      %parallel_loop3A_281 = tpu.vector_load %arg8[%parallel_loop3A_280] {strides = array<i32>} : memref<16384xi32, #tpu.memory_space<vmem>>, vector<16xi32>,
      %parallel_loop3A_282 = vector.shape_cast %parallel_loop3A_281 : vector<16xi32> to vector<16xi32>
      %parallel_loop3A_283 = arith.addi %parallel_loop3A_263, %parallel_loop3A_269 : vector<16xi32>
      %parallel_loop3A_284 = arith.ori %parallel_loop3A_269, %parallel_loop3A_272 : vector<16xi32>
      %parallel_loop3A_285 = arith.addi %parallel_loop3A_264, %parallel_loop3A_284 : vector<16xi32>
      %parallel_loop3A_286 = arith.addi %parallel_loop3A_265, %parallel_loop3A_277 : vector<16xi32>
      %parallel_loop3A_287 = arith.ori %parallel_loop3A_277, %parallel_loop3A_282 : vector<16xi32>
      %parallel_loop3A_288 = arith.addi %parallel_loop3A_266, %parallel_loop3A_287 : vector<16xi32>
      scf.yield %parallel_loop3A_283, %parallel_loop3A_285, %parallel_loop3A_286, %parallel_loop3A_288 : vector<16xi32>, vector<16xi32>, vector<16xi32>, vector<16xi32>
    } {sc.loop_unroll_factor = 8 : i64, sc.parallel_access}
    %add3A_105 = arith.constant 131072 : i32
    %add3A_106 = arith.addi %mul3A_2, %add3A_105 : i32
    %dma_start3A_107 = tpu.memref_slice %arg2[%add3A_106] : memref<16777216xi32, #tpu.memory_space<hbm>> -> memref<16384xi32, #tpu.memory_space<hbm>>
    %dma_start3A_108 = tpu.memref_slice %arg2[%add3A_106] : memref<16777216xi32, #tpu.memory_space<hbm>> -> memref<16384xi32, #tpu.memory_space<hbm>>
    tpu.enqueue_dma source(%dma_start3A_108 : memref<16384xi32, #tpu.memory_space<hbm>>) target(%arg6 : memref<16384xi32, #tpu.memory_space<vmem>>) target_semaphore(%arg12 : memref<!tpu.dma_semaphore, #tpu.memory_space<semaphore_mem>>)
    %dma_start3A_109 = tpu.memref_slice %arg3[%add3A_106] : memref<16777216xi32, #tpu.memory_space<hbm>> -> memref<16384xi32, #tpu.memory_space<hbm>>
    %dma_start3A_110 = tpu.memref_slice %arg3[%add3A_106] : memref<16777216xi32, #tpu.memory_space<hbm>> -> memref<16384xi32, #tpu.memory_space<hbm>>
    tpu.enqueue_dma source(%dma_start3A_110 : memref<16384xi32, #tpu.memory_space<hbm>>) target(%arg8 : memref<16384xi32, #tpu.memory_space<vmem>>) target_semaphore(%arg14 : memref<!tpu.dma_semaphore, #tpu.memory_space<semaphore_mem>>)
    %dma_wait3A_111 = tpu.memref_slice %arg2[%add3A_92] : memref<16777216xi32, #tpu.memory_space<hbm>> -> memref<16384xi32, #tpu.memory_space<hbm>>
    %dma_wait3A_112 = tpu.memref_slice %arg2[%add3A_92] : memref<16777216xi32, #tpu.memory_space<hbm>> -> memref<16384xi32, #tpu.memory_space<hbm>>
    tpu.wait_dma2 semaphore(%arg13 : memref<!tpu.dma_semaphore, #tpu.memory_space<semaphore_mem>>) src(%dma_wait3A_112 : memref<16384xi32, #tpu.memory_space<hbm>>) dst(%arg7 : memref<16384xi32, #tpu.memory_space<vmem>>)
    %dma_wait3A_113 = tpu.memref_slice %arg3[%add3A_92] : memref<16777216xi32, #tpu.memory_space<hbm>> -> memref<16384xi32, #tpu.memory_space<hbm>>
    %dma_wait3A_114 = tpu.memref_slice %arg3[%add3A_92] : memref<16777216xi32, #tpu.memory_space<hbm>> -> memref<16384xi32, #tpu.memory_space<hbm>>
    tpu.wait_dma2 semaphore(%arg15 : memref<!tpu.dma_semaphore, #tpu.memory_space<semaphore_mem>>) src(%dma_wait3A_114 : memref<16384xi32, #tpu.memory_space<hbm>>) dst(%arg9 : memref<16384xi32, #tpu.memory_space<vmem>>)
    %parallel_loop3A_115 = arith.constant 0 : i32
    %parallel_loop3A_116 = arith.constant 16384 : i32
    %parallel_loop3A_117 = arith.constant 32 : i32
    %parallel_loop3A_118:4 = scf.for %parallel_loop3A_262 = %parallel_loop3A_115 to %parallel_loop3A_116 step %parallel_loop3A_117 iter_args(%parallel_loop3A_263 = %parallel_loop3A_104#0, %parallel_loop3A_264 = %parallel_loop3A_104#1, %parallel_loop3A_265 = %parallel_loop3A_104#2, %parallel_loop3A_266 = %parallel_loop3A_104#3) -> (vector<16xi32>, vector<16xi32>, vector<16xi32>, vector<16xi32>)  : i32 {
      %parallel_loop3A_267 = arith.index_cast %parallel_loop3A_262 : i32 to index
      %parallel_loop3A_268 = tpu.vector_load %arg7[%parallel_loop3A_267] {strides = array<i32>} : memref<16384xi32, #tpu.memory_space<vmem>>, vector<16xi32>,
      %parallel_loop3A_269 = vector.shape_cast %parallel_loop3A_268 : vector<16xi32> to vector<16xi32>
      %parallel_loop3A_270 = arith.index_cast %parallel_loop3A_262 : i32 to index
      %parallel_loop3A_271 = tpu.vector_load %arg9[%parallel_loop3A_270] {strides = array<i32>} : memref<16384xi32, #tpu.memory_space<vmem>>, vector<16xi32>,
      %parallel_loop3A_272 = vector.shape_cast %parallel_loop3A_271 : vector<16xi32> to vector<16xi32>
      %parallel_loop3A_273 = arith.constant 16 : i32
      %parallel_loop3A_274 = arith.addi %parallel_loop3A_262, %parallel_loop3A_273 : i32
      %parallel_loop3A_275 = arith.index_cast %parallel_loop3A_274 : i32 to index
      %parallel_loop3A_276 = tpu.vector_load %arg7[%parallel_loop3A_275] {strides = array<i32>} : memref<16384xi32, #tpu.memory_space<vmem>>, vector<16xi32>,
      %parallel_loop3A_277 = vector.shape_cast %parallel_loop3A_276 : vector<16xi32> to vector<16xi32>
      %parallel_loop3A_278 = arith.constant 16 : i32
      %parallel_loop3A_279 = arith.addi %parallel_loop3A_262, %parallel_loop3A_278 : i32
      %parallel_loop3A_280 = arith.index_cast %parallel_loop3A_279 : i32 to index
      %parallel_loop3A_281 = tpu.vector_load %arg9[%parallel_loop3A_280] {strides = array<i32>} : memref<16384xi32, #tpu.memory_space<vmem>>, vector<16xi32>,
      %parallel_loop3A_282 = vector.shape_cast %parallel_loop3A_281 : vector<16xi32> to vector<16xi32>
      %parallel_loop3A_283 = arith.addi %parallel_loop3A_263, %parallel_loop3A_269 : vector<16xi32>
      %parallel_loop3A_284 = arith.ori %parallel_loop3A_269, %parallel_loop3A_272 : vector<16xi32>
      %parallel_loop3A_285 = arith.addi %parallel_loop3A_264, %parallel_loop3A_284 : vector<16xi32>
      %parallel_loop3A_286 = arith.addi %parallel_loop3A_265, %parallel_loop3A_277 : vector<16xi32>
      %parallel_loop3A_287 = arith.ori %parallel_loop3A_277, %parallel_loop3A_282 : vector<16xi32>
      %parallel_loop3A_288 = arith.addi %parallel_loop3A_266, %parallel_loop3A_287 : vector<16xi32>
      scf.yield %parallel_loop3A_283, %parallel_loop3A_285, %parallel_loop3A_286, %parallel_loop3A_288 : vector<16xi32>, vector<16xi32>, vector<16xi32>, vector<16xi32>
    } {sc.loop_unroll_factor = 8 : i64, sc.parallel_access}
    %add3A_119 = arith.constant 147456 : i32
    %add3A_120 = arith.addi %mul3A_2, %add3A_119 : i32
    %dma_start3A_121 = tpu.memref_slice %arg2[%add3A_120] : memref<16777216xi32, #tpu.memory_space<hbm>> -> memref<16384xi32, #tpu.memory_space<hbm>>
    %dma_start3A_122 = tpu.memref_slice %arg2[%add3A_120] : memref<16777216xi32, #tpu.memory_space<hbm>> -> memref<16384xi32, #tpu.memory_space<hbm>>
    tpu.enqueue_dma source(%dma_start3A_122 : memref<16384xi32, #tpu.memory_space<hbm>>) target(%arg7 : memref<16384xi32, #tpu.memory_space<vmem>>) target_semaphore(%arg13 : memref<!tpu.dma_semaphore, #tpu.memory_space<semaphore_mem>>)
    %dma_start3A_123 = tpu.memref_slice %arg3[%add3A_120] : memref<16777216xi32, #tpu.memory_space<hbm>> -> memref<16384xi32, #tpu.memory_space<hbm>>
    %dma_start3A_124 = tpu.memref_slice %arg3[%add3A_120] : memref<16777216xi32, #tpu.memory_space<hbm>> -> memref<16384xi32, #tpu.memory_space<hbm>>
    tpu.enqueue_dma source(%dma_start3A_124 : memref<16384xi32, #tpu.memory_space<hbm>>) target(%arg9 : memref<16384xi32, #tpu.memory_space<vmem>>) target_semaphore(%arg15 : memref<!tpu.dma_semaphore, #tpu.memory_space<semaphore_mem>>)
    %dma_wait3A_125 = tpu.memref_slice %arg2[%add3A_106] : memref<16777216xi32, #tpu.memory_space<hbm>> -> memref<16384xi32, #tpu.memory_space<hbm>>
    %dma_wait3A_126 = tpu.memref_slice %arg2[%add3A_106] : memref<16777216xi32, #tpu.memory_space<hbm>> -> memref<16384xi32, #tpu.memory_space<hbm>>
    tpu.wait_dma2 semaphore(%arg12 : memref<!tpu.dma_semaphore, #tpu.memory_space<semaphore_mem>>) src(%dma_wait3A_126 : memref<16384xi32, #tpu.memory_space<hbm>>) dst(%arg6 : memref<16384xi32, #tpu.memory_space<vmem>>)
    %dma_wait3A_127 = tpu.memref_slice %arg3[%add3A_106] : memref<16777216xi32, #tpu.memory_space<hbm>> -> memref<16384xi32, #tpu.memory_space<hbm>>
    %dma_wait3A_128 = tpu.memref_slice %arg3[%add3A_106] : memref<16777216xi32, #tpu.memory_space<hbm>> -> memref<16384xi32, #tpu.memory_space<hbm>>
    tpu.wait_dma2 semaphore(%arg14 : memref<!tpu.dma_semaphore, #tpu.memory_space<semaphore_mem>>) src(%dma_wait3A_128 : memref<16384xi32, #tpu.memory_space<hbm>>) dst(%arg8 : memref<16384xi32, #tpu.memory_space<vmem>>)
    %parallel_loop3A_129 = arith.constant 0 : i32
    %parallel_loop3A_130 = arith.constant 16384 : i32
    %parallel_loop3A_131 = arith.constant 32 : i32
    %parallel_loop3A_132:4 = scf.for %parallel_loop3A_262 = %parallel_loop3A_129 to %parallel_loop3A_130 step %parallel_loop3A_131 iter_args(%parallel_loop3A_263 = %parallel_loop3A_118#0, %parallel_loop3A_264 = %parallel_loop3A_118#1, %parallel_loop3A_265 = %parallel_loop3A_118#2, %parallel_loop3A_266 = %parallel_loop3A_118#3) -> (vector<16xi32>, vector<16xi32>, vector<16xi32>, vector<16xi32>)  : i32 {
      %parallel_loop3A_267 = arith.index_cast %parallel_loop3A_262 : i32 to index
      %parallel_loop3A_268 = tpu.vector_load %arg6[%parallel_loop3A_267] {strides = array<i32>} : memref<16384xi32, #tpu.memory_space<vmem>>, vector<16xi32>,
      %parallel_loop3A_269 = vector.shape_cast %parallel_loop3A_268 : vector<16xi32> to vector<16xi32>
      %parallel_loop3A_270 = arith.index_cast %parallel_loop3A_262 : i32 to index
      %parallel_loop3A_271 = tpu.vector_load %arg8[%parallel_loop3A_270] {strides = array<i32>} : memref<16384xi32, #tpu.memory_space<vmem>>, vector<16xi32>,
      %parallel_loop3A_272 = vector.shape_cast %parallel_loop3A_271 : vector<16xi32> to vector<16xi32>
      %parallel_loop3A_273 = arith.constant 16 : i32
      %parallel_loop3A_274 = arith.addi %parallel_loop3A_262, %parallel_loop3A_273 : i32
      %parallel_loop3A_275 = arith.index_cast %parallel_loop3A_274 : i32 to index
      %parallel_loop3A_276 = tpu.vector_load %arg6[%parallel_loop3A_275] {strides = array<i32>} : memref<16384xi32, #tpu.memory_space<vmem>>, vector<16xi32>,
      %parallel_loop3A_277 = vector.shape_cast %parallel_loop3A_276 : vector<16xi32> to vector<16xi32>
      %parallel_loop3A_278 = arith.constant 16 : i32
      %parallel_loop3A_279 = arith.addi %parallel_loop3A_262, %parallel_loop3A_278 : i32
      %parallel_loop3A_280 = arith.index_cast %parallel_loop3A_279 : i32 to index
      %parallel_loop3A_281 = tpu.vector_load %arg8[%parallel_loop3A_280] {strides = array<i32>} : memref<16384xi32, #tpu.memory_space<vmem>>, vector<16xi32>,
      %parallel_loop3A_282 = vector.shape_cast %parallel_loop3A_281 : vector<16xi32> to vector<16xi32>
      %parallel_loop3A_283 = arith.addi %parallel_loop3A_263, %parallel_loop3A_269 : vector<16xi32>
      %parallel_loop3A_284 = arith.ori %parallel_loop3A_269, %parallel_loop3A_272 : vector<16xi32>
      %parallel_loop3A_285 = arith.addi %parallel_loop3A_264, %parallel_loop3A_284 : vector<16xi32>
      %parallel_loop3A_286 = arith.addi %parallel_loop3A_265, %parallel_loop3A_277 : vector<16xi32>
      %parallel_loop3A_287 = arith.ori %parallel_loop3A_277, %parallel_loop3A_282 : vector<16xi32>
      %parallel_loop3A_288 = arith.addi %parallel_loop3A_266, %parallel_loop3A_287 : vector<16xi32>
      scf.yield %parallel_loop3A_283, %parallel_loop3A_285, %parallel_loop3A_286, %parallel_loop3A_288 : vector<16xi32>, vector<16xi32>, vector<16xi32>, vector<16xi32>
    } {sc.loop_unroll_factor = 8 : i64, sc.parallel_access}
    %add3A_133 = arith.constant 163840 : i32
    %add3A_134 = arith.addi %mul3A_2, %add3A_133 : i32
    %dma_start3A_135 = tpu.memref_slice %arg2[%add3A_134] : memref<16777216xi32, #tpu.memory_space<hbm>> -> memref<16384xi32, #tpu.memory_space<hbm>>
    %dma_start3A_136 = tpu.memref_slice %arg2[%add3A_134] : memref<16777216xi32, #tpu.memory_space<hbm>> -> memref<16384xi32, #tpu.memory_space<hbm>>
    tpu.enqueue_dma source(%dma_start3A_136 : memref<16384xi32, #tpu.memory_space<hbm>>) target(%arg6 : memref<16384xi32, #tpu.memory_space<vmem>>) target_semaphore(%arg12 : memref<!tpu.dma_semaphore, #tpu.memory_space<semaphore_mem>>)
    %dma_start3A_137 = tpu.memref_slice %arg3[%add3A_134] : memref<16777216xi32, #tpu.memory_space<hbm>> -> memref<16384xi32, #tpu.memory_space<hbm>>
    %dma_start3A_138 = tpu.memref_slice %arg3[%add3A_134] : memref<16777216xi32, #tpu.memory_space<hbm>> -> memref<16384xi32, #tpu.memory_space<hbm>>
    tpu.enqueue_dma source(%dma_start3A_138 : memref<16384xi32, #tpu.memory_space<hbm>>) target(%arg8 : memref<16384xi32, #tpu.memory_space<vmem>>) target_semaphore(%arg14 : memref<!tpu.dma_semaphore, #tpu.memory_space<semaphore_mem>>)
    %dma_wait3A_139 = tpu.memref_slice %arg2[%add3A_120] : memref<16777216xi32, #tpu.memory_space<hbm>> -> memref<16384xi32, #tpu.memory_space<hbm>>
    %dma_wait3A_140 = tpu.memref_slice %arg2[%add3A_120] : memref<16777216xi32, #tpu.memory_space<hbm>> -> memref<16384xi32, #tpu.memory_space<hbm>>
    tpu.wait_dma2 semaphore(%arg13 : memref<!tpu.dma_semaphore, #tpu.memory_space<semaphore_mem>>) src(%dma_wait3A_140 : memref<16384xi32, #tpu.memory_space<hbm>>) dst(%arg7 : memref<16384xi32, #tpu.memory_space<vmem>>)
    %dma_wait3A_141 = tpu.memref_slice %arg3[%add3A_120] : memref<16777216xi32, #tpu.memory_space<hbm>> -> memref<16384xi32, #tpu.memory_space<hbm>>
    %dma_wait3A_142 = tpu.memref_slice %arg3[%add3A_120] : memref<16777216xi32, #tpu.memory_space<hbm>> -> memref<16384xi32, #tpu.memory_space<hbm>>
    tpu.wait_dma2 semaphore(%arg15 : memref<!tpu.dma_semaphore, #tpu.memory_space<semaphore_mem>>) src(%dma_wait3A_142 : memref<16384xi32, #tpu.memory_space<hbm>>) dst(%arg9 : memref<16384xi32, #tpu.memory_space<vmem>>)
    %parallel_loop3A_143 = arith.constant 0 : i32
    %parallel_loop3A_144 = arith.constant 16384 : i32
    %parallel_loop3A_145 = arith.constant 32 : i32
    %parallel_loop3A_146:4 = scf.for %parallel_loop3A_262 = %parallel_loop3A_143 to %parallel_loop3A_144 step %parallel_loop3A_145 iter_args(%parallel_loop3A_263 = %parallel_loop3A_132#0, %parallel_loop3A_264 = %parallel_loop3A_132#1, %parallel_loop3A_265 = %parallel_loop3A_132#2, %parallel_loop3A_266 = %parallel_loop3A_132#3) -> (vector<16xi32>, vector<16xi32>, vector<16xi32>, vector<16xi32>)  : i32 {
      %parallel_loop3A_267 = arith.index_cast %parallel_loop3A_262 : i32 to index
      %parallel_loop3A_268 = tpu.vector_load %arg7[%parallel_loop3A_267] {strides = array<i32>} : memref<16384xi32, #tpu.memory_space<vmem>>, vector<16xi32>,
      %parallel_loop3A_269 = vector.shape_cast %parallel_loop3A_268 : vector<16xi32> to vector<16xi32>
      %parallel_loop3A_270 = arith.index_cast %parallel_loop3A_262 : i32 to index
      %parallel_loop3A_271 = tpu.vector_load %arg9[%parallel_loop3A_270] {strides = array<i32>} : memref<16384xi32, #tpu.memory_space<vmem>>, vector<16xi32>,
      %parallel_loop3A_272 = vector.shape_cast %parallel_loop3A_271 : vector<16xi32> to vector<16xi32>
      %parallel_loop3A_273 = arith.constant 16 : i32
      %parallel_loop3A_274 = arith.addi %parallel_loop3A_262, %parallel_loop3A_273 : i32
      %parallel_loop3A_275 = arith.index_cast %parallel_loop3A_274 : i32 to index
      %parallel_loop3A_276 = tpu.vector_load %arg7[%parallel_loop3A_275] {strides = array<i32>} : memref<16384xi32, #tpu.memory_space<vmem>>, vector<16xi32>,
      %parallel_loop3A_277 = vector.shape_cast %parallel_loop3A_276 : vector<16xi32> to vector<16xi32>
      %parallel_loop3A_278 = arith.constant 16 : i32
      %parallel_loop3A_279 = arith.addi %parallel_loop3A_262, %parallel_loop3A_278 : i32
      %parallel_loop3A_280 = arith.index_cast %parallel_loop3A_279 : i32 to index
      %parallel_loop3A_281 = tpu.vector_load %arg9[%parallel_loop3A_280] {strides = array<i32>} : memref<16384xi32, #tpu.memory_space<vmem>>, vector<16xi32>,
      %parallel_loop3A_282 = vector.shape_cast %parallel_loop3A_281 : vector<16xi32> to vector<16xi32>
      %parallel_loop3A_283 = arith.addi %parallel_loop3A_263, %parallel_loop3A_269 : vector<16xi32>
      %parallel_loop3A_284 = arith.ori %parallel_loop3A_269, %parallel_loop3A_272 : vector<16xi32>
      %parallel_loop3A_285 = arith.addi %parallel_loop3A_264, %parallel_loop3A_284 : vector<16xi32>
      %parallel_loop3A_286 = arith.addi %parallel_loop3A_265, %parallel_loop3A_277 : vector<16xi32>
      %parallel_loop3A_287 = arith.ori %parallel_loop3A_277, %parallel_loop3A_282 : vector<16xi32>
      %parallel_loop3A_288 = arith.addi %parallel_loop3A_266, %parallel_loop3A_287 : vector<16xi32>
      scf.yield %parallel_loop3A_283, %parallel_loop3A_285, %parallel_loop3A_286, %parallel_loop3A_288 : vector<16xi32>, vector<16xi32>, vector<16xi32>, vector<16xi32>
    } {sc.loop_unroll_factor = 8 : i64, sc.parallel_access}
    %add3A_147 = arith.constant 180224 : i32
    %add3A_148 = arith.addi %mul3A_2, %add3A_147 : i32
    %dma_start3A_149 = tpu.memref_slice %arg2[%add3A_148] : memref<16777216xi32, #tpu.memory_space<hbm>> -> memref<16384xi32, #tpu.memory_space<hbm>>
    %dma_start3A_150 = tpu.memref_slice %arg2[%add3A_148] : memref<16777216xi32, #tpu.memory_space<hbm>> -> memref<16384xi32, #tpu.memory_space<hbm>>
    tpu.enqueue_dma source(%dma_start3A_150 : memref<16384xi32, #tpu.memory_space<hbm>>) target(%arg7 : memref<16384xi32, #tpu.memory_space<vmem>>) target_semaphore(%arg13 : memref<!tpu.dma_semaphore, #tpu.memory_space<semaphore_mem>>)
    %dma_start3A_151 = tpu.memref_slice %arg3[%add3A_148] : memref<16777216xi32, #tpu.memory_space<hbm>> -> memref<16384xi32, #tpu.memory_space<hbm>>
    %dma_start3A_152 = tpu.memref_slice %arg3[%add3A_148] : memref<16777216xi32, #tpu.memory_space<hbm>> -> memref<16384xi32, #tpu.memory_space<hbm>>
    tpu.enqueue_dma source(%dma_start3A_152 : memref<16384xi32, #tpu.memory_space<hbm>>) target(%arg9 : memref<16384xi32, #tpu.memory_space<vmem>>) target_semaphore(%arg15 : memref<!tpu.dma_semaphore, #tpu.memory_space<semaphore_mem>>)
    %dma_wait3A_153 = tpu.memref_slice %arg2[%add3A_134] : memref<16777216xi32, #tpu.memory_space<hbm>> -> memref<16384xi32, #tpu.memory_space<hbm>>
    %dma_wait3A_154 = tpu.memref_slice %arg2[%add3A_134] : memref<16777216xi32, #tpu.memory_space<hbm>> -> memref<16384xi32, #tpu.memory_space<hbm>>
    tpu.wait_dma2 semaphore(%arg12 : memref<!tpu.dma_semaphore, #tpu.memory_space<semaphore_mem>>) src(%dma_wait3A_154 : memref<16384xi32, #tpu.memory_space<hbm>>) dst(%arg6 : memref<16384xi32, #tpu.memory_space<vmem>>)
    %dma_wait3A_155 = tpu.memref_slice %arg3[%add3A_134] : memref<16777216xi32, #tpu.memory_space<hbm>> -> memref<16384xi32, #tpu.memory_space<hbm>>
    %dma_wait3A_156 = tpu.memref_slice %arg3[%add3A_134] : memref<16777216xi32, #tpu.memory_space<hbm>> -> memref<16384xi32, #tpu.memory_space<hbm>>
    tpu.wait_dma2 semaphore(%arg14 : memref<!tpu.dma_semaphore, #tpu.memory_space<semaphore_mem>>) src(%dma_wait3A_156 : memref<16384xi32, #tpu.memory_space<hbm>>) dst(%arg8 : memref<16384xi32, #tpu.memory_space<vmem>>)
    %parallel_loop3A_157 = arith.constant 0 : i32
    %parallel_loop3A_158 = arith.constant 16384 : i32
    %parallel_loop3A_159 = arith.constant 32 : i32
    %parallel_loop3A_160:4 = scf.for %parallel_loop3A_262 = %parallel_loop3A_157 to %parallel_loop3A_158 step %parallel_loop3A_159 iter_args(%parallel_loop3A_263 = %parallel_loop3A_146#0, %parallel_loop3A_264 = %parallel_loop3A_146#1, %parallel_loop3A_265 = %parallel_loop3A_146#2, %parallel_loop3A_266 = %parallel_loop3A_146#3) -> (vector<16xi32>, vector<16xi32>, vector<16xi32>, vector<16xi32>)  : i32 {
      %parallel_loop3A_267 = arith.index_cast %parallel_loop3A_262 : i32 to index
      %parallel_loop3A_268 = tpu.vector_load %arg6[%parallel_loop3A_267] {strides = array<i32>} : memref<16384xi32, #tpu.memory_space<vmem>>, vector<16xi32>,
      %parallel_loop3A_269 = vector.shape_cast %parallel_loop3A_268 : vector<16xi32> to vector<16xi32>
      %parallel_loop3A_270 = arith.index_cast %parallel_loop3A_262 : i32 to index
      %parallel_loop3A_271 = tpu.vector_load %arg8[%parallel_loop3A_270] {strides = array<i32>} : memref<16384xi32, #tpu.memory_space<vmem>>, vector<16xi32>,
      %parallel_loop3A_272 = vector.shape_cast %parallel_loop3A_271 : vector<16xi32> to vector<16xi32>
      %parallel_loop3A_273 = arith.constant 16 : i32
      %parallel_loop3A_274 = arith.addi %parallel_loop3A_262, %parallel_loop3A_273 : i32
      %parallel_loop3A_275 = arith.index_cast %parallel_loop3A_274 : i32 to index
      %parallel_loop3A_276 = tpu.vector_load %arg6[%parallel_loop3A_275] {strides = array<i32>} : memref<16384xi32, #tpu.memory_space<vmem>>, vector<16xi32>,
      %parallel_loop3A_277 = vector.shape_cast %parallel_loop3A_276 : vector<16xi32> to vector<16xi32>
      %parallel_loop3A_278 = arith.constant 16 : i32
      %parallel_loop3A_279 = arith.addi %parallel_loop3A_262, %parallel_loop3A_278 : i32
      %parallel_loop3A_280 = arith.index_cast %parallel_loop3A_279 : i32 to index
      %parallel_loop3A_281 = tpu.vector_load %arg8[%parallel_loop3A_280] {strides = array<i32>} : memref<16384xi32, #tpu.memory_space<vmem>>, vector<16xi32>,
      %parallel_loop3A_282 = vector.shape_cast %parallel_loop3A_281 : vector<16xi32> to vector<16xi32>
      %parallel_loop3A_283 = arith.addi %parallel_loop3A_263, %parallel_loop3A_269 : vector<16xi32>
      %parallel_loop3A_284 = arith.ori %parallel_loop3A_269, %parallel_loop3A_272 : vector<16xi32>
      %parallel_loop3A_285 = arith.addi %parallel_loop3A_264, %parallel_loop3A_284 : vector<16xi32>
      %parallel_loop3A_286 = arith.addi %parallel_loop3A_265, %parallel_loop3A_277 : vector<16xi32>
      %parallel_loop3A_287 = arith.ori %parallel_loop3A_277, %parallel_loop3A_282 : vector<16xi32>
      %parallel_loop3A_288 = arith.addi %parallel_loop3A_266, %parallel_loop3A_287 : vector<16xi32>
      scf.yield %parallel_loop3A_283, %parallel_loop3A_285, %parallel_loop3A_286, %parallel_loop3A_288 : vector<16xi32>, vector<16xi32>, vector<16xi32>, vector<16xi32>
    } {sc.loop_unroll_factor = 8 : i64, sc.parallel_access}
    %add3A_161 = arith.constant 196608 : i32
    %add3A_162 = arith.addi %mul3A_2, %add3A_161 : i32
    %dma_start3A_163 = tpu.memref_slice %arg2[%add3A_162] : memref<16777216xi32, #tpu.memory_space<hbm>> -> memref<16384xi32, #tpu.memory_space<hbm>>
    %dma_start3A_164 = tpu.memref_slice %arg2[%add3A_162] : memref<16777216xi32, #tpu.memory_space<hbm>> -> memref<16384xi32, #tpu.memory_space<hbm>>
    tpu.enqueue_dma source(%dma_start3A_164 : memref<16384xi32, #tpu.memory_space<hbm>>) target(%arg6 : memref<16384xi32, #tpu.memory_space<vmem>>) target_semaphore(%arg12 : memref<!tpu.dma_semaphore, #tpu.memory_space<semaphore_mem>>)
    %dma_start3A_165 = tpu.memref_slice %arg3[%add3A_162] : memref<16777216xi32, #tpu.memory_space<hbm>> -> memref<16384xi32, #tpu.memory_space<hbm>>
    %dma_start3A_166 = tpu.memref_slice %arg3[%add3A_162] : memref<16777216xi32, #tpu.memory_space<hbm>> -> memref<16384xi32, #tpu.memory_space<hbm>>
    tpu.enqueue_dma source(%dma_start3A_166 : memref<16384xi32, #tpu.memory_space<hbm>>) target(%arg8 : memref<16384xi32, #tpu.memory_space<vmem>>) target_semaphore(%arg14 : memref<!tpu.dma_semaphore, #tpu.memory_space<semaphore_mem>>)
    %dma_wait3A_167 = tpu.memref_slice %arg2[%add3A_148] : memref<16777216xi32, #tpu.memory_space<hbm>> -> memref<16384xi32, #tpu.memory_space<hbm>>
    %dma_wait3A_168 = tpu.memref_slice %arg2[%add3A_148] : memref<16777216xi32, #tpu.memory_space<hbm>> -> memref<16384xi32, #tpu.memory_space<hbm>>
    tpu.wait_dma2 semaphore(%arg13 : memref<!tpu.dma_semaphore, #tpu.memory_space<semaphore_mem>>) src(%dma_wait3A_168 : memref<16384xi32, #tpu.memory_space<hbm>>) dst(%arg7 : memref<16384xi32, #tpu.memory_space<vmem>>)
    %dma_wait3A_169 = tpu.memref_slice %arg3[%add3A_148] : memref<16777216xi32, #tpu.memory_space<hbm>> -> memref<16384xi32, #tpu.memory_space<hbm>>
    %dma_wait3A_170 = tpu.memref_slice %arg3[%add3A_148] : memref<16777216xi32, #tpu.memory_space<hbm>> -> memref<16384xi32, #tpu.memory_space<hbm>>
    tpu.wait_dma2 semaphore(%arg15 : memref<!tpu.dma_semaphore, #tpu.memory_space<semaphore_mem>>) src(%dma_wait3A_170 : memref<16384xi32, #tpu.memory_space<hbm>>) dst(%arg9 : memref<16384xi32, #tpu.memory_space<vmem>>)
    %parallel_loop3A_171 = arith.constant 0 : i32
    %parallel_loop3A_172 = arith.constant 16384 : i32
    %parallel_loop3A_173 = arith.constant 32 : i32
    %parallel_loop3A_174:4 = scf.for %parallel_loop3A_262 = %parallel_loop3A_171 to %parallel_loop3A_172 step %parallel_loop3A_173 iter_args(%parallel_loop3A_263 = %parallel_loop3A_160#0, %parallel_loop3A_264 = %parallel_loop3A_160#1, %parallel_loop3A_265 = %parallel_loop3A_160#2, %parallel_loop3A_266 = %parallel_loop3A_160#3) -> (vector<16xi32>, vector<16xi32>, vector<16xi32>, vector<16xi32>)  : i32 {
      %parallel_loop3A_267 = arith.index_cast %parallel_loop3A_262 : i32 to index
      %parallel_loop3A_268 = tpu.vector_load %arg7[%parallel_loop3A_267] {strides = array<i32>} : memref<16384xi32, #tpu.memory_space<vmem>>, vector<16xi32>,
      %parallel_loop3A_269 = vector.shape_cast %parallel_loop3A_268 : vector<16xi32> to vector<16xi32>
      %parallel_loop3A_270 = arith.index_cast %parallel_loop3A_262 : i32 to index
      %parallel_loop3A_271 = tpu.vector_load %arg9[%parallel_loop3A_270] {strides = array<i32>} : memref<16384xi32, #tpu.memory_space<vmem>>, vector<16xi32>,
      %parallel_loop3A_272 = vector.shape_cast %parallel_loop3A_271 : vector<16xi32> to vector<16xi32>
      %parallel_loop3A_273 = arith.constant 16 : i32
      %parallel_loop3A_274 = arith.addi %parallel_loop3A_262, %parallel_loop3A_273 : i32
      %parallel_loop3A_275 = arith.index_cast %parallel_loop3A_274 : i32 to index
      %parallel_loop3A_276 = tpu.vector_load %arg7[%parallel_loop3A_275] {strides = array<i32>} : memref<16384xi32, #tpu.memory_space<vmem>>, vector<16xi32>,
      %parallel_loop3A_277 = vector.shape_cast %parallel_loop3A_276 : vector<16xi32> to vector<16xi32>
      %parallel_loop3A_278 = arith.constant 16 : i32
      %parallel_loop3A_279 = arith.addi %parallel_loop3A_262, %parallel_loop3A_278 : i32
      %parallel_loop3A_280 = arith.index_cast %parallel_loop3A_279 : i32 to index
      %parallel_loop3A_281 = tpu.vector_load %arg9[%parallel_loop3A_280] {strides = array<i32>} : memref<16384xi32, #tpu.memory_space<vmem>>, vector<16xi32>,
      %parallel_loop3A_282 = vector.shape_cast %parallel_loop3A_281 : vector<16xi32> to vector<16xi32>
      %parallel_loop3A_283 = arith.addi %parallel_loop3A_263, %parallel_loop3A_269 : vector<16xi32>
      %parallel_loop3A_284 = arith.ori %parallel_loop3A_269, %parallel_loop3A_272 : vector<16xi32>
      %parallel_loop3A_285 = arith.addi %parallel_loop3A_264, %parallel_loop3A_284 : vector<16xi32>
      %parallel_loop3A_286 = arith.addi %parallel_loop3A_265, %parallel_loop3A_277 : vector<16xi32>
      %parallel_loop3A_287 = arith.ori %parallel_loop3A_277, %parallel_loop3A_282 : vector<16xi32>
      %parallel_loop3A_288 = arith.addi %parallel_loop3A_266, %parallel_loop3A_287 : vector<16xi32>
      scf.yield %parallel_loop3A_283, %parallel_loop3A_285, %parallel_loop3A_286, %parallel_loop3A_288 : vector<16xi32>, vector<16xi32>, vector<16xi32>, vector<16xi32>
    } {sc.loop_unroll_factor = 8 : i64, sc.parallel_access}
    %add3A_175 = arith.constant 212992 : i32
    %add3A_176 = arith.addi %mul3A_2, %add3A_175 : i32
    %dma_start3A_177 = tpu.memref_slice %arg2[%add3A_176] : memref<16777216xi32, #tpu.memory_space<hbm>> -> memref<16384xi32, #tpu.memory_space<hbm>>
    %dma_start3A_178 = tpu.memref_slice %arg2[%add3A_176] : memref<16777216xi32, #tpu.memory_space<hbm>> -> memref<16384xi32, #tpu.memory_space<hbm>>
    tpu.enqueue_dma source(%dma_start3A_178 : memref<16384xi32, #tpu.memory_space<hbm>>) target(%arg7 : memref<16384xi32, #tpu.memory_space<vmem>>) target_semaphore(%arg13 : memref<!tpu.dma_semaphore, #tpu.memory_space<semaphore_mem>>)
    %dma_start3A_179 = tpu.memref_slice %arg3[%add3A_176] : memref<16777216xi32, #tpu.memory_space<hbm>> -> memref<16384xi32, #tpu.memory_space<hbm>>
    %dma_start3A_180 = tpu.memref_slice %arg3[%add3A_176] : memref<16777216xi32, #tpu.memory_space<hbm>> -> memref<16384xi32, #tpu.memory_space<hbm>>
    tpu.enqueue_dma source(%dma_start3A_180 : memref<16384xi32, #tpu.memory_space<hbm>>) target(%arg9 : memref<16384xi32, #tpu.memory_space<vmem>>) target_semaphore(%arg15 : memref<!tpu.dma_semaphore, #tpu.memory_space<semaphore_mem>>)
    %dma_wait3A_181 = tpu.memref_slice %arg2[%add3A_162] : memref<16777216xi32, #tpu.memory_space<hbm>> -> memref<16384xi32, #tpu.memory_space<hbm>>
    %dma_wait3A_182 = tpu.memref_slice %arg2[%add3A_162] : memref<16777216xi32, #tpu.memory_space<hbm>> -> memref<16384xi32, #tpu.memory_space<hbm>>
    tpu.wait_dma2 semaphore(%arg12 : memref<!tpu.dma_semaphore, #tpu.memory_space<semaphore_mem>>) src(%dma_wait3A_182 : memref<16384xi32, #tpu.memory_space<hbm>>) dst(%arg6 : memref<16384xi32, #tpu.memory_space<vmem>>)
    %dma_wait3A_183 = tpu.memref_slice %arg3[%add3A_162] : memref<16777216xi32, #tpu.memory_space<hbm>> -> memref<16384xi32, #tpu.memory_space<hbm>>
    %dma_wait3A_184 = tpu.memref_slice %arg3[%add3A_162] : memref<16777216xi32, #tpu.memory_space<hbm>> -> memref<16384xi32, #tpu.memory_space<hbm>>
    tpu.wait_dma2 semaphore(%arg14 : memref<!tpu.dma_semaphore, #tpu.memory_space<semaphore_mem>>) src(%dma_wait3A_184 : memref<16384xi32, #tpu.memory_space<hbm>>) dst(%arg8 : memref<16384xi32, #tpu.memory_space<vmem>>)
    %parallel_loop3A_185 = arith.constant 0 : i32
    %parallel_loop3A_186 = arith.constant 16384 : i32
    %parallel_loop3A_187 = arith.constant 32 : i32
    %parallel_loop3A_188:4 = scf.for %parallel_loop3A_262 = %parallel_loop3A_185 to %parallel_loop3A_186 step %parallel_loop3A_187 iter_args(%parallel_loop3A_263 = %parallel_loop3A_174#0, %parallel_loop3A_264 = %parallel_loop3A_174#1, %parallel_loop3A_265 = %parallel_loop3A_174#2, %parallel_loop3A_266 = %parallel_loop3A_174#3) -> (vector<16xi32>, vector<16xi32>, vector<16xi32>, vector<16xi32>)  : i32 {
      %parallel_loop3A_267 = arith.index_cast %parallel_loop3A_262 : i32 to index
      %parallel_loop3A_268 = tpu.vector_load %arg6[%parallel_loop3A_267] {strides = array<i32>} : memref<16384xi32, #tpu.memory_space<vmem>>, vector<16xi32>,
      %parallel_loop3A_269 = vector.shape_cast %parallel_loop3A_268 : vector<16xi32> to vector<16xi32>
      %parallel_loop3A_270 = arith.index_cast %parallel_loop3A_262 : i32 to index
      %parallel_loop3A_271 = tpu.vector_load %arg8[%parallel_loop3A_270] {strides = array<i32>} : memref<16384xi32, #tpu.memory_space<vmem>>, vector<16xi32>,
      %parallel_loop3A_272 = vector.shape_cast %parallel_loop3A_271 : vector<16xi32> to vector<16xi32>
      %parallel_loop3A_273 = arith.constant 16 : i32
      %parallel_loop3A_274 = arith.addi %parallel_loop3A_262, %parallel_loop3A_273 : i32
      %parallel_loop3A_275 = arith.index_cast %parallel_loop3A_274 : i32 to index
      %parallel_loop3A_276 = tpu.vector_load %arg6[%parallel_loop3A_275] {strides = array<i32>} : memref<16384xi32, #tpu.memory_space<vmem>>, vector<16xi32>,
      %parallel_loop3A_277 = vector.shape_cast %parallel_loop3A_276 : vector<16xi32> to vector<16xi32>
      %parallel_loop3A_278 = arith.constant 16 : i32
      %parallel_loop3A_279 = arith.addi %parallel_loop3A_262, %parallel_loop3A_278 : i32
      %parallel_loop3A_280 = arith.index_cast %parallel_loop3A_279 : i32 to index
      %parallel_loop3A_281 = tpu.vector_load %arg8[%parallel_loop3A_280] {strides = array<i32>} : memref<16384xi32, #tpu.memory_space<vmem>>, vector<16xi32>,
      %parallel_loop3A_282 = vector.shape_cast %parallel_loop3A_281 : vector<16xi32> to vector<16xi32>
      %parallel_loop3A_283 = arith.addi %parallel_loop3A_263, %parallel_loop3A_269 : vector<16xi32>
      %parallel_loop3A_284 = arith.ori %parallel_loop3A_269, %parallel_loop3A_272 : vector<16xi32>
      %parallel_loop3A_285 = arith.addi %parallel_loop3A_264, %parallel_loop3A_284 : vector<16xi32>
      %parallel_loop3A_286 = arith.addi %parallel_loop3A_265, %parallel_loop3A_277 : vector<16xi32>
      %parallel_loop3A_287 = arith.ori %parallel_loop3A_277, %parallel_loop3A_282 : vector<16xi32>
      %parallel_loop3A_288 = arith.addi %parallel_loop3A_266, %parallel_loop3A_287 : vector<16xi32>
      scf.yield %parallel_loop3A_283, %parallel_loop3A_285, %parallel_loop3A_286, %parallel_loop3A_288 : vector<16xi32>, vector<16xi32>, vector<16xi32>, vector<16xi32>
    } {sc.loop_unroll_factor = 8 : i64, sc.parallel_access}
    %add3A_189 = arith.constant 229376 : i32
    %add3A_190 = arith.addi %mul3A_2, %add3A_189 : i32
    %dma_start3A_191 = tpu.memref_slice %arg2[%add3A_190] : memref<16777216xi32, #tpu.memory_space<hbm>> -> memref<16384xi32, #tpu.memory_space<hbm>>
    %dma_start3A_192 = tpu.memref_slice %arg2[%add3A_190] : memref<16777216xi32, #tpu.memory_space<hbm>> -> memref<16384xi32, #tpu.memory_space<hbm>>
    tpu.enqueue_dma source(%dma_start3A_192 : memref<16384xi32, #tpu.memory_space<hbm>>) target(%arg6 : memref<16384xi32, #tpu.memory_space<vmem>>) target_semaphore(%arg12 : memref<!tpu.dma_semaphore, #tpu.memory_space<semaphore_mem>>)
    %dma_start3A_193 = tpu.memref_slice %arg3[%add3A_190] : memref<16777216xi32, #tpu.memory_space<hbm>> -> memref<16384xi32, #tpu.memory_space<hbm>>
    %dma_start3A_194 = tpu.memref_slice %arg3[%add3A_190] : memref<16777216xi32, #tpu.memory_space<hbm>> -> memref<16384xi32, #tpu.memory_space<hbm>>
    tpu.enqueue_dma source(%dma_start3A_194 : memref<16384xi32, #tpu.memory_space<hbm>>) target(%arg8 : memref<16384xi32, #tpu.memory_space<vmem>>) target_semaphore(%arg14 : memref<!tpu.dma_semaphore, #tpu.memory_space<semaphore_mem>>)
    %dma_wait3A_195 = tpu.memref_slice %arg2[%add3A_176] : memref<16777216xi32, #tpu.memory_space<hbm>> -> memref<16384xi32, #tpu.memory_space<hbm>>
    %dma_wait3A_196 = tpu.memref_slice %arg2[%add3A_176] : memref<16777216xi32, #tpu.memory_space<hbm>> -> memref<16384xi32, #tpu.memory_space<hbm>>
    tpu.wait_dma2 semaphore(%arg13 : memref<!tpu.dma_semaphore, #tpu.memory_space<semaphore_mem>>) src(%dma_wait3A_196 : memref<16384xi32, #tpu.memory_space<hbm>>) dst(%arg7 : memref<16384xi32, #tpu.memory_space<vmem>>)
    %dma_wait3A_197 = tpu.memref_slice %arg3[%add3A_176] : memref<16777216xi32, #tpu.memory_space<hbm>> -> memref<16384xi32, #tpu.memory_space<hbm>>
    %dma_wait3A_198 = tpu.memref_slice %arg3[%add3A_176] : memref<16777216xi32, #tpu.memory_space<hbm>> -> memref<16384xi32, #tpu.memory_space<hbm>>
    tpu.wait_dma2 semaphore(%arg15 : memref<!tpu.dma_semaphore, #tpu.memory_space<semaphore_mem>>) src(%dma_wait3A_198 : memref<16384xi32, #tpu.memory_space<hbm>>) dst(%arg9 : memref<16384xi32, #tpu.memory_space<vmem>>)
    %parallel_loop3A_199 = arith.constant 0 : i32
    %parallel_loop3A_200 = arith.constant 16384 : i32
    %parallel_loop3A_201 = arith.constant 32 : i32
    %parallel_loop3A_202:4 = scf.for %parallel_loop3A_262 = %parallel_loop3A_199 to %parallel_loop3A_200 step %parallel_loop3A_201 iter_args(%parallel_loop3A_263 = %parallel_loop3A_188#0, %parallel_loop3A_264 = %parallel_loop3A_188#1, %parallel_loop3A_265 = %parallel_loop3A_188#2, %parallel_loop3A_266 = %parallel_loop3A_188#3) -> (vector<16xi32>, vector<16xi32>, vector<16xi32>, vector<16xi32>)  : i32 {
      %parallel_loop3A_267 = arith.index_cast %parallel_loop3A_262 : i32 to index
      %parallel_loop3A_268 = tpu.vector_load %arg7[%parallel_loop3A_267] {strides = array<i32>} : memref<16384xi32, #tpu.memory_space<vmem>>, vector<16xi32>,
      %parallel_loop3A_269 = vector.shape_cast %parallel_loop3A_268 : vector<16xi32> to vector<16xi32>
      %parallel_loop3A_270 = arith.index_cast %parallel_loop3A_262 : i32 to index
      %parallel_loop3A_271 = tpu.vector_load %arg9[%parallel_loop3A_270] {strides = array<i32>} : memref<16384xi32, #tpu.memory_space<vmem>>, vector<16xi32>,
      %parallel_loop3A_272 = vector.shape_cast %parallel_loop3A_271 : vector<16xi32> to vector<16xi32>
      %parallel_loop3A_273 = arith.constant 16 : i32
      %parallel_loop3A_274 = arith.addi %parallel_loop3A_262, %parallel_loop3A_273 : i32
      %parallel_loop3A_275 = arith.index_cast %parallel_loop3A_274 : i32 to index
      %parallel_loop3A_276 = tpu.vector_load %arg7[%parallel_loop3A_275] {strides = array<i32>} : memref<16384xi32, #tpu.memory_space<vmem>>, vector<16xi32>,
      %parallel_loop3A_277 = vector.shape_cast %parallel_loop3A_276 : vector<16xi32> to vector<16xi32>
      %parallel_loop3A_278 = arith.constant 16 : i32
      %parallel_loop3A_279 = arith.addi %parallel_loop3A_262, %parallel_loop3A_278 : i32
      %parallel_loop3A_280 = arith.index_cast %parallel_loop3A_279 : i32 to index
      %parallel_loop3A_281 = tpu.vector_load %arg9[%parallel_loop3A_280] {strides = array<i32>} : memref<16384xi32, #tpu.memory_space<vmem>>, vector<16xi32>,
      %parallel_loop3A_282 = vector.shape_cast %parallel_loop3A_281 : vector<16xi32> to vector<16xi32>
      %parallel_loop3A_283 = arith.addi %parallel_loop3A_263, %parallel_loop3A_269 : vector<16xi32>
      %parallel_loop3A_284 = arith.ori %parallel_loop3A_269, %parallel_loop3A_272 : vector<16xi32>
      %parallel_loop3A_285 = arith.addi %parallel_loop3A_264, %parallel_loop3A_284 : vector<16xi32>
      %parallel_loop3A_286 = arith.addi %parallel_loop3A_265, %parallel_loop3A_277 : vector<16xi32>
      %parallel_loop3A_287 = arith.ori %parallel_loop3A_277, %parallel_loop3A_282 : vector<16xi32>
      %parallel_loop3A_288 = arith.addi %parallel_loop3A_266, %parallel_loop3A_287 : vector<16xi32>
      scf.yield %parallel_loop3A_283, %parallel_loop3A_285, %parallel_loop3A_286, %parallel_loop3A_288 : vector<16xi32>, vector<16xi32>, vector<16xi32>, vector<16xi32>
    } {sc.loop_unroll_factor = 8 : i64, sc.parallel_access}
    %add3A_203 = arith.constant 245760 : i32
    %add3A_204 = arith.addi %mul3A_2, %add3A_203 : i32
    %dma_start3A_205 = tpu.memref_slice %arg2[%add3A_204] : memref<16777216xi32, #tpu.memory_space<hbm>> -> memref<16384xi32, #tpu.memory_space<hbm>>
    %dma_start3A_206 = tpu.memref_slice %arg2[%add3A_204] : memref<16777216xi32, #tpu.memory_space<hbm>> -> memref<16384xi32, #tpu.memory_space<hbm>>
    tpu.enqueue_dma source(%dma_start3A_206 : memref<16384xi32, #tpu.memory_space<hbm>>) target(%arg7 : memref<16384xi32, #tpu.memory_space<vmem>>) target_semaphore(%arg13 : memref<!tpu.dma_semaphore, #tpu.memory_space<semaphore_mem>>)
    %dma_start3A_207 = tpu.memref_slice %arg3[%add3A_204] : memref<16777216xi32, #tpu.memory_space<hbm>> -> memref<16384xi32, #tpu.memory_space<hbm>>
    %dma_start3A_208 = tpu.memref_slice %arg3[%add3A_204] : memref<16777216xi32, #tpu.memory_space<hbm>> -> memref<16384xi32, #tpu.memory_space<hbm>>
    tpu.enqueue_dma source(%dma_start3A_208 : memref<16384xi32, #tpu.memory_space<hbm>>) target(%arg9 : memref<16384xi32, #tpu.memory_space<vmem>>) target_semaphore(%arg15 : memref<!tpu.dma_semaphore, #tpu.memory_space<semaphore_mem>>)
    %dma_wait3A_209 = tpu.memref_slice %arg2[%add3A_190] : memref<16777216xi32, #tpu.memory_space<hbm>> -> memref<16384xi32, #tpu.memory_space<hbm>>
    %dma_wait3A_210 = tpu.memref_slice %arg2[%add3A_190] : memref<16777216xi32, #tpu.memory_space<hbm>> -> memref<16384xi32, #tpu.memory_space<hbm>>
    tpu.wait_dma2 semaphore(%arg12 : memref<!tpu.dma_semaphore, #tpu.memory_space<semaphore_mem>>) src(%dma_wait3A_210 : memref<16384xi32, #tpu.memory_space<hbm>>) dst(%arg6 : memref<16384xi32, #tpu.memory_space<vmem>>)
    %dma_wait3A_211 = tpu.memref_slice %arg3[%add3A_190] : memref<16777216xi32, #tpu.memory_space<hbm>> -> memref<16384xi32, #tpu.memory_space<hbm>>
    %dma_wait3A_212 = tpu.memref_slice %arg3[%add3A_190] : memref<16777216xi32, #tpu.memory_space<hbm>> -> memref<16384xi32, #tpu.memory_space<hbm>>
    tpu.wait_dma2 semaphore(%arg14 : memref<!tpu.dma_semaphore, #tpu.memory_space<semaphore_mem>>) src(%dma_wait3A_212 : memref<16384xi32, #tpu.memory_space<hbm>>) dst(%arg8 : memref<16384xi32, #tpu.memory_space<vmem>>)
    %parallel_loop3A_213 = arith.constant 0 : i32
    %parallel_loop3A_214 = arith.constant 16384 : i32
    %parallel_loop3A_215 = arith.constant 32 : i32
    %parallel_loop3A_216:4 = scf.for %parallel_loop3A_262 = %parallel_loop3A_213 to %parallel_loop3A_214 step %parallel_loop3A_215 iter_args(%parallel_loop3A_263 = %parallel_loop3A_202#0, %parallel_loop3A_264 = %parallel_loop3A_202#1, %parallel_loop3A_265 = %parallel_loop3A_202#2, %parallel_loop3A_266 = %parallel_loop3A_202#3) -> (vector<16xi32>, vector<16xi32>, vector<16xi32>, vector<16xi32>)  : i32 {
      %parallel_loop3A_267 = arith.index_cast %parallel_loop3A_262 : i32 to index
      %parallel_loop3A_268 = tpu.vector_load %arg6[%parallel_loop3A_267] {strides = array<i32>} : memref<16384xi32, #tpu.memory_space<vmem>>, vector<16xi32>,
      %parallel_loop3A_269 = vector.shape_cast %parallel_loop3A_268 : vector<16xi32> to vector<16xi32>
      %parallel_loop3A_270 = arith.index_cast %parallel_loop3A_262 : i32 to index
      %parallel_loop3A_271 = tpu.vector_load %arg8[%parallel_loop3A_270] {strides = array<i32>} : memref<16384xi32, #tpu.memory_space<vmem>>, vector<16xi32>,
      %parallel_loop3A_272 = vector.shape_cast %parallel_loop3A_271 : vector<16xi32> to vector<16xi32>
      %parallel_loop3A_273 = arith.constant 16 : i32
      %parallel_loop3A_274 = arith.addi %parallel_loop3A_262, %parallel_loop3A_273 : i32
      %parallel_loop3A_275 = arith.index_cast %parallel_loop3A_274 : i32 to index
      %parallel_loop3A_276 = tpu.vector_load %arg6[%parallel_loop3A_275] {strides = array<i32>} : memref<16384xi32, #tpu.memory_space<vmem>>, vector<16xi32>,
      %parallel_loop3A_277 = vector.shape_cast %parallel_loop3A_276 : vector<16xi32> to vector<16xi32>
      %parallel_loop3A_278 = arith.constant 16 : i32
      %parallel_loop3A_279 = arith.addi %parallel_loop3A_262, %parallel_loop3A_278 : i32
      %parallel_loop3A_280 = arith.index_cast %parallel_loop3A_279 : i32 to index
      %parallel_loop3A_281 = tpu.vector_load %arg8[%parallel_loop3A_280] {strides = array<i32>} : memref<16384xi32, #tpu.memory_space<vmem>>, vector<16xi32>,
      %parallel_loop3A_282 = vector.shape_cast %parallel_loop3A_281 : vector<16xi32> to vector<16xi32>
      %parallel_loop3A_283 = arith.addi %parallel_loop3A_263, %parallel_loop3A_269 : vector<16xi32>
      %parallel_loop3A_284 = arith.ori %parallel_loop3A_269, %parallel_loop3A_272 : vector<16xi32>
      %parallel_loop3A_285 = arith.addi %parallel_loop3A_264, %parallel_loop3A_284 : vector<16xi32>
      %parallel_loop3A_286 = arith.addi %parallel_loop3A_265, %parallel_loop3A_277 : vector<16xi32>
      %parallel_loop3A_287 = arith.ori %parallel_loop3A_277, %parallel_loop3A_282 : vector<16xi32>
      %parallel_loop3A_288 = arith.addi %parallel_loop3A_266, %parallel_loop3A_287 : vector<16xi32>
      scf.yield %parallel_loop3A_283, %parallel_loop3A_285, %parallel_loop3A_286, %parallel_loop3A_288 : vector<16xi32>, vector<16xi32>, vector<16xi32>, vector<16xi32>
    } {sc.loop_unroll_factor = 8 : i64, sc.parallel_access}
    %add3A_217 = arith.constant 262144 : i32
    %add3A_218 = arith.addi %mul3A_2, %add3A_217 : i32
    %dma_start3A_219 = tpu.memref_slice %arg2[%add3A_218] : memref<16777216xi32, #tpu.memory_space<hbm>> -> memref<16384xi32, #tpu.memory_space<hbm>>
    %dma_start3A_220 = tpu.memref_slice %arg2[%add3A_218] : memref<16777216xi32, #tpu.memory_space<hbm>> -> memref<16384xi32, #tpu.memory_space<hbm>>
    tpu.enqueue_dma source(%dma_start3A_220 : memref<16384xi32, #tpu.memory_space<hbm>>) target(%arg6 : memref<16384xi32, #tpu.memory_space<vmem>>) target_semaphore(%arg12 : memref<!tpu.dma_semaphore, #tpu.memory_space<semaphore_mem>>)
    %dma_start3A_221 = tpu.memref_slice %arg3[%add3A_218] : memref<16777216xi32, #tpu.memory_space<hbm>> -> memref<16384xi32, #tpu.memory_space<hbm>>
    %dma_start3A_222 = tpu.memref_slice %arg3[%add3A_218] : memref<16777216xi32, #tpu.memory_space<hbm>> -> memref<16384xi32, #tpu.memory_space<hbm>>
    tpu.enqueue_dma source(%dma_start3A_222 : memref<16384xi32, #tpu.memory_space<hbm>>) target(%arg8 : memref<16384xi32, #tpu.memory_space<vmem>>) target_semaphore(%arg14 : memref<!tpu.dma_semaphore, #tpu.memory_space<semaphore_mem>>)
    %dma_wait3A_223 = tpu.memref_slice %arg2[%add3A_204] : memref<16777216xi32, #tpu.memory_space<hbm>> -> memref<16384xi32, #tpu.memory_space<hbm>>
    %dma_wait3A_224 = tpu.memref_slice %arg2[%add3A_204] : memref<16777216xi32, #tpu.memory_space<hbm>> -> memref<16384xi32, #tpu.memory_space<hbm>>
    tpu.wait_dma2 semaphore(%arg13 : memref<!tpu.dma_semaphore, #tpu.memory_space<semaphore_mem>>) src(%dma_wait3A_224 : memref<16384xi32, #tpu.memory_space<hbm>>) dst(%arg7 : memref<16384xi32, #tpu.memory_space<vmem>>)
    %dma_wait3A_225 = tpu.memref_slice %arg3[%add3A_204] : memref<16777216xi32, #tpu.memory_space<hbm>> -> memref<16384xi32, #tpu.memory_space<hbm>>
    %dma_wait3A_226 = tpu.memref_slice %arg3[%add3A_204] : memref<16777216xi32, #tpu.memory_space<hbm>> -> memref<16384xi32, #tpu.memory_space<hbm>>
    tpu.wait_dma2 semaphore(%arg15 : memref<!tpu.dma_semaphore, #tpu.memory_space<semaphore_mem>>) src(%dma_wait3A_226 : memref<16384xi32, #tpu.memory_space<hbm>>) dst(%arg9 : memref<16384xi32, #tpu.memory_space<vmem>>)
    %parallel_loop3A_227 = arith.constant 0 : i32
    %parallel_loop3A_228 = arith.constant 16384 : i32
    %parallel_loop3A_229 = arith.constant 32 : i32
    %parallel_loop3A_230:4 = scf.for %parallel_loop3A_262 = %parallel_loop3A_227 to %parallel_loop3A_228 step %parallel_loop3A_229 iter_args(%parallel_loop3A_263 = %parallel_loop3A_216#0, %parallel_loop3A_264 = %parallel_loop3A_216#1, %parallel_loop3A_265 = %parallel_loop3A_216#2, %parallel_loop3A_266 = %parallel_loop3A_216#3) -> (vector<16xi32>, vector<16xi32>, vector<16xi32>, vector<16xi32>)  : i32 {
      %parallel_loop3A_267 = arith.index_cast %parallel_loop3A_262 : i32 to index
      %parallel_loop3A_268 = tpu.vector_load %arg7[%parallel_loop3A_267] {strides = array<i32>} : memref<16384xi32, #tpu.memory_space<vmem>>, vector<16xi32>,
      %parallel_loop3A_269 = vector.shape_cast %parallel_loop3A_268 : vector<16xi32> to vector<16xi32>
      %parallel_loop3A_270 = arith.index_cast %parallel_loop3A_262 : i32 to index
      %parallel_loop3A_271 = tpu.vector_load %arg9[%parallel_loop3A_270] {strides = array<i32>} : memref<16384xi32, #tpu.memory_space<vmem>>, vector<16xi32>,
      %parallel_loop3A_272 = vector.shape_cast %parallel_loop3A_271 : vector<16xi32> to vector<16xi32>
      %parallel_loop3A_273 = arith.constant 16 : i32
      %parallel_loop3A_274 = arith.addi %parallel_loop3A_262, %parallel_loop3A_273 : i32
      %parallel_loop3A_275 = arith.index_cast %parallel_loop3A_274 : i32 to index
      %parallel_loop3A_276 = tpu.vector_load %arg7[%parallel_loop3A_275] {strides = array<i32>} : memref<16384xi32, #tpu.memory_space<vmem>>, vector<16xi32>,
      %parallel_loop3A_277 = vector.shape_cast %parallel_loop3A_276 : vector<16xi32> to vector<16xi32>
      %parallel_loop3A_278 = arith.constant 16 : i32
      %parallel_loop3A_279 = arith.addi %parallel_loop3A_262, %parallel_loop3A_278 : i32
      %parallel_loop3A_280 = arith.index_cast %parallel_loop3A_279 : i32 to index
      %parallel_loop3A_281 = tpu.vector_load %arg9[%parallel_loop3A_280] {strides = array<i32>} : memref<16384xi32, #tpu.memory_space<vmem>>, vector<16xi32>,
      %parallel_loop3A_282 = vector.shape_cast %parallel_loop3A_281 : vector<16xi32> to vector<16xi32>
      %parallel_loop3A_283 = arith.addi %parallel_loop3A_263, %parallel_loop3A_269 : vector<16xi32>
      %parallel_loop3A_284 = arith.ori %parallel_loop3A_269, %parallel_loop3A_272 : vector<16xi32>
      %parallel_loop3A_285 = arith.addi %parallel_loop3A_264, %parallel_loop3A_284 : vector<16xi32>
      %parallel_loop3A_286 = arith.addi %parallel_loop3A_265, %parallel_loop3A_277 : vector<16xi32>
      %parallel_loop3A_287 = arith.ori %parallel_loop3A_277, %parallel_loop3A_282 : vector<16xi32>
      %parallel_loop3A_288 = arith.addi %parallel_loop3A_266, %parallel_loop3A_287 : vector<16xi32>
      scf.yield %parallel_loop3A_283, %parallel_loop3A_285, %parallel_loop3A_286, %parallel_loop3A_288 : vector<16xi32>, vector<16xi32>, vector<16xi32>, vector<16xi32>
    } {sc.loop_unroll_factor = 8 : i64, sc.parallel_access}
    %add3A_231 = arith.constant 278528 : i32
    %add3A_232 = arith.addi %mul3A_2, %add3A_231 : i32
    %dma_start3A_233 = tpu.memref_slice %arg2[%add3A_232] : memref<16777216xi32, #tpu.memory_space<hbm>> -> memref<16384xi32, #tpu.memory_space<hbm>>
    %dma_start3A_234 = tpu.memref_slice %arg2[%add3A_232] : memref<16777216xi32, #tpu.memory_space<hbm>> -> memref<16384xi32, #tpu.memory_space<hbm>>
    tpu.enqueue_dma source(%dma_start3A_234 : memref<16384xi32, #tpu.memory_space<hbm>>) target(%arg7 : memref<16384xi32, #tpu.memory_space<vmem>>) target_semaphore(%arg13 : memref<!tpu.dma_semaphore, #tpu.memory_space<semaphore_mem>>)
    %dma_start3A_235 = tpu.memref_slice %arg3[%add3A_232] : memref<16777216xi32, #tpu.memory_space<hbm>> -> memref<16384xi32, #tpu.memory_space<hbm>>
    %dma_start3A_236 = tpu.memref_slice %arg3[%add3A_232] : memref<16777216xi32, #tpu.memory_space<hbm>> -> memref<16384xi32, #tpu.memory_space<hbm>>
    tpu.enqueue_dma source(%dma_start3A_236 : memref<16384xi32, #tpu.memory_space<hbm>>) target(%arg9 : memref<16384xi32, #tpu.memory_space<vmem>>) target_semaphore(%arg15 : memref<!tpu.dma_semaphore, #tpu.memory_space<semaphore_mem>>)
    %dma_wait3A_237 = tpu.memref_slice %arg2[%add3A_218] : memref<16777216xi32, #tpu.memory_space<hbm>> -> memref<16384xi32, #tpu.memory_space<hbm>>
    %dma_wait3A_238 = tpu.memref_slice %arg2[%add3A_218] : memref<16777216xi32, #tpu.memory_space<hbm>> -> memref<16384xi32, #tpu.memory_space<hbm>>
    tpu.wait_dma2 semaphore(%arg12 : memref<!tpu.dma_semaphore, #tpu.memory_space<semaphore_mem>>) src(%dma_wait3A_238 : memref<16384xi32, #tpu.memory_space<hbm>>) dst(%arg6 : memref<16384xi32, #tpu.memory_space<vmem>>)
    %dma_wait3A_239 = tpu.memref_slice %arg3[%add3A_218] : memref<16777216xi32, #tpu.memory_space<hbm>> -> memref<16384xi32, #tpu.memory_space<hbm>>
    %dma_wait3A_240 = tpu.memref_slice %arg3[%add3A_218] : memref<16777216xi32, #tpu.memory_space<hbm>> -> memref<16384xi32, #tpu.memory_space<hbm>>
    tpu.wait_dma2 semaphore(%arg14 : memref<!tpu.dma_semaphore, #tpu.memory_space<semaphore_mem>>) src(%dma_wait3A_240 : memref<16384xi32, #tpu.memory_space<hbm>>) dst(%arg8 : memref<16384xi32, #tpu.memory_space<vmem>>)
    %parallel_loop3A_241 = arith.constant 0 : i32
    %parallel_loop3A_242 = arith.constant 16384 : i32
    %parallel_loop3A_243 = arith.constant 32 : i32
    %parallel_loop3A_244:4 = scf.for %parallel_loop3A_262 = %parallel_loop3A_241 to %parallel_loop3A_242 step %parallel_loop3A_243 iter_args(%parallel_loop3A_263 = %parallel_loop3A_230#0, %parallel_loop3A_264 = %parallel_loop3A_230#1, %parallel_loop3A_265 = %parallel_loop3A_230#2, %parallel_loop3A_266 = %parallel_loop3A_230#3) -> (vector<16xi32>, vector<16xi32>, vector<16xi32>, vector<16xi32>)  : i32 {
      %parallel_loop3A_267 = arith.index_cast %parallel_loop3A_262 : i32 to index
      %parallel_loop3A_268 = tpu.vector_load %arg6[%parallel_loop3A_267] {strides = array<i32>} : memref<16384xi32, #tpu.memory_space<vmem>>, vector<16xi32>,
      %parallel_loop3A_269 = vector.shape_cast %parallel_loop3A_268 : vector<16xi32> to vector<16xi32>
      %parallel_loop3A_270 = arith.index_cast %parallel_loop3A_262 : i32 to index
      %parallel_loop3A_271 = tpu.vector_load %arg8[%parallel_loop3A_270] {strides = array<i32>} : memref<16384xi32, #tpu.memory_space<vmem>>, vector<16xi32>,
      %parallel_loop3A_272 = vector.shape_cast %parallel_loop3A_271 : vector<16xi32> to vector<16xi32>
      %parallel_loop3A_273 = arith.constant 16 : i32
      %parallel_loop3A_274 = arith.addi %parallel_loop3A_262, %parallel_loop3A_273 : i32
      %parallel_loop3A_275 = arith.index_cast %parallel_loop3A_274 : i32 to index
      %parallel_loop3A_276 = tpu.vector_load %arg6[%parallel_loop3A_275] {strides = array<i32>} : memref<16384xi32, #tpu.memory_space<vmem>>, vector<16xi32>,
      %parallel_loop3A_277 = vector.shape_cast %parallel_loop3A_276 : vector<16xi32> to vector<16xi32>
      %parallel_loop3A_278 = arith.constant 16 : i32
      %parallel_loop3A_279 = arith.addi %parallel_loop3A_262, %parallel_loop3A_278 : i32
      %parallel_loop3A_280 = arith.index_cast %parallel_loop3A_279 : i32 to index
      %parallel_loop3A_281 = tpu.vector_load %arg8[%parallel_loop3A_280] {strides = array<i32>} : memref<16384xi32, #tpu.memory_space<vmem>>, vector<16xi32>,
      %parallel_loop3A_282 = vector.shape_cast %parallel_loop3A_281 : vector<16xi32> to vector<16xi32>
      %parallel_loop3A_283 = arith.addi %parallel_loop3A_263, %parallel_loop3A_269 : vector<16xi32>
      %parallel_loop3A_284 = arith.ori %parallel_loop3A_269, %parallel_loop3A_272 : vector<16xi32>
      %parallel_loop3A_285 = arith.addi %parallel_loop3A_264, %parallel_loop3A_284 : vector<16xi32>
      %parallel_loop3A_286 = arith.addi %parallel_loop3A_265, %parallel_loop3A_277 : vector<16xi32>
      %parallel_loop3A_287 = arith.ori %parallel_loop3A_277, %parallel_loop3A_282 : vector<16xi32>
      %parallel_loop3A_288 = arith.addi %parallel_loop3A_266, %parallel_loop3A_287 : vector<16xi32>
      scf.yield %parallel_loop3A_283, %parallel_loop3A_285, %parallel_loop3A_286, %parallel_loop3A_288 : vector<16xi32>, vector<16xi32>, vector<16xi32>, vector<16xi32>
    } {sc.loop_unroll_factor = 8 : i64, sc.parallel_access}
    %dma_wait3A_245 = tpu.memref_slice %arg2[%add3A_232] : memref<16777216xi32, #tpu.memory_space<hbm>> -> memref<16384xi32, #tpu.memory_space<hbm>>
    %dma_wait3A_246 = tpu.memref_slice %arg2[%add3A_232] : memref<16777216xi32, #tpu.memory_space<hbm>> -> memref<16384xi32, #tpu.memory_space<hbm>>
    tpu.wait_dma2 semaphore(%arg13 : memref<!tpu.dma_semaphore, #tpu.memory_space<semaphore_mem>>) src(%dma_wait3A_246 : memref<16384xi32, #tpu.memory_space<hbm>>) dst(%arg7 : memref<16384xi32, #tpu.memory_space<vmem>>)
    %dma_wait3A_247 = tpu.memref_slice %arg3[%add3A_232] : memref<16777216xi32, #tpu.memory_space<hbm>> -> memref<16384xi32, #tpu.memory_space<hbm>>
    %dma_wait3A_248 = tpu.memref_slice %arg3[%add3A_232] : memref<16777216xi32, #tpu.memory_space<hbm>> -> memref<16384xi32, #tpu.memory_space<hbm>>
    tpu.wait_dma2 semaphore(%arg15 : memref<!tpu.dma_semaphore, #tpu.memory_space<semaphore_mem>>) src(%dma_wait3A_248 : memref<16384xi32, #tpu.memory_space<hbm>>) dst(%arg9 : memref<16384xi32, #tpu.memory_space<vmem>>)
    %parallel_loop3A_249 = arith.constant 0 : i32
    %parallel_loop3A_250 = arith.constant 16384 : i32
    %parallel_loop3A_251 = arith.constant 32 : i32
    %parallel_loop3A_252:4 = scf.for %parallel_loop3A_262 = %parallel_loop3A_249 to %parallel_loop3A_250 step %parallel_loop3A_251 iter_args(%parallel_loop3A_263 = %parallel_loop3A_244#0, %parallel_loop3A_264 = %parallel_loop3A_244#1, %parallel_loop3A_265 = %parallel_loop3A_244#2, %parallel_loop3A_266 = %parallel_loop3A_244#3) -> (vector<16xi32>, vector<16xi32>, vector<16xi32>, vector<16xi32>)  : i32 {
      %parallel_loop3A_267 = arith.index_cast %parallel_loop3A_262 : i32 to index
      %parallel_loop3A_268 = tpu.vector_load %arg7[%parallel_loop3A_267] {strides = array<i32>} : memref<16384xi32, #tpu.memory_space<vmem>>, vector<16xi32>,
      %parallel_loop3A_269 = vector.shape_cast %parallel_loop3A_268 : vector<16xi32> to vector<16xi32>
      %parallel_loop3A_270 = arith.index_cast %parallel_loop3A_262 : i32 to index
      %parallel_loop3A_271 = tpu.vector_load %arg9[%parallel_loop3A_270] {strides = array<i32>} : memref<16384xi32, #tpu.memory_space<vmem>>, vector<16xi32>,
      %parallel_loop3A_272 = vector.shape_cast %parallel_loop3A_271 : vector<16xi32> to vector<16xi32>
      %parallel_loop3A_273 = arith.constant 16 : i32
      %parallel_loop3A_274 = arith.addi %parallel_loop3A_262, %parallel_loop3A_273 : i32
      %parallel_loop3A_275 = arith.index_cast %parallel_loop3A_274 : i32 to index
      %parallel_loop3A_276 = tpu.vector_load %arg7[%parallel_loop3A_275] {strides = array<i32>} : memref<16384xi32, #tpu.memory_space<vmem>>, vector<16xi32>,
      %parallel_loop3A_277 = vector.shape_cast %parallel_loop3A_276 : vector<16xi32> to vector<16xi32>
      %parallel_loop3A_278 = arith.constant 16 : i32
      %parallel_loop3A_279 = arith.addi %parallel_loop3A_262, %parallel_loop3A_278 : i32
      %parallel_loop3A_280 = arith.index_cast %parallel_loop3A_279 : i32 to index
      %parallel_loop3A_281 = tpu.vector_load %arg9[%parallel_loop3A_280] {strides = array<i32>} : memref<16384xi32, #tpu.memory_space<vmem>>, vector<16xi32>,
      %parallel_loop3A_282 = vector.shape_cast %parallel_loop3A_281 : vector<16xi32> to vector<16xi32>
      %parallel_loop3A_283 = arith.addi %parallel_loop3A_263, %parallel_loop3A_269 : vector<16xi32>
      %parallel_loop3A_284 = arith.ori %parallel_loop3A_269, %parallel_loop3A_272 : vector<16xi32>
      %parallel_loop3A_285 = arith.addi %parallel_loop3A_264, %parallel_loop3A_284 : vector<16xi32>
      %parallel_loop3A_286 = arith.addi %parallel_loop3A_265, %parallel_loop3A_277 : vector<16xi32>
      %parallel_loop3A_287 = arith.ori %parallel_loop3A_277, %parallel_loop3A_282 : vector<16xi32>
      %parallel_loop3A_288 = arith.addi %parallel_loop3A_266, %parallel_loop3A_287 : vector<16xi32>
      scf.yield %parallel_loop3A_283, %parallel_loop3A_285, %parallel_loop3A_286, %parallel_loop3A_288 : vector<16xi32>, vector<16xi32>, vector<16xi32>, vector<16xi32>
    } {sc.loop_unroll_factor = 8 : i64, sc.parallel_access}
    %add3A_253 = arith.addi %parallel_loop3A_252#0, %parallel_loop3A_252#2 : vector<16xi32>
    %swap3A = arith.constant 0 : index
    %swap3A_254 = tpu.vector_load %arg10[%swap3A] {strides = array<i32>} : memref<16xi32, #tpu.memory_space<vmem>>, vector<16xi32>,
    %swap3A_255 = vector.shape_cast %swap3A_254 : vector<16xi32> to vector<16xi32>
    %swap3A_256 = vector.shape_cast %add3A_253 : vector<16xi32> to vector<16xi32>
    tpu.vector_store %arg10[%swap3A], %swap3A_256 {strides = array<i32>} : memref<16xi32, #tpu.memory_space<vmem>>, vector<16xi32>,
    %add3A_257 = arith.addi %parallel_loop3A_252#1, %parallel_loop3A_252#3 : vector<16xi32>
    %swap3A_258 = arith.constant 0 : index
    %swap3A_259 = tpu.vector_load %arg11[%swap3A_258] {strides = array<i32>} : memref<16xi32, #tpu.memory_space<vmem>>, vector<16xi32>,
    %swap3A_260 = vector.shape_cast %swap3A_259 : vector<16xi32> to vector<16xi32>
    %swap3A_261 = vector.shape_cast %add3A_257 : vector<16xi32> to vector<16xi32>
    tpu.vector_store %arg11[%swap3A_258], %swap3A_261 {strides = array<i32>} : memref<16xi32, #tpu.memory_space<vmem>>, vector<16xi32>,
    "tpu.region"() ({
      %run_scoped3A = tpu.sem_alloc : memref<!tpu.dma_semaphore, #tpu.memory_space<semaphore_mem>>
      %dma_start3A_262 = arith.constant 0 : i32
      %dma_start3A_263 = tpu.memref_slice %arg4[%add3A, %dma_start3A_262] : memref<32x16xi32, #tpu.memory_space<hbm>> -> memref<1x16xi32, #tpu.memory_space<hbm>>
      %dma_start3A_264 = tpu.memref_squeeze %dma_start3A_263 : memref<1x16xi32, #tpu.memory_space<hbm>> -> memref<16xi32, #tpu.memory_space<hbm>>
      %dma_start3A_265 = arith.constant 0 : i32
      %dma_start3A_266 = tpu.memref_slice %arg4[%add3A, %dma_start3A_265] : memref<32x16xi32, #tpu.memory_space<hbm>> -> memref<1x16xi32, #tpu.memory_space<hbm>>
      %dma_start3A_267 = tpu.memref_squeeze %dma_start3A_266 : memref<1x16xi32, #tpu.memory_space<hbm>> -> memref<16xi32, #tpu.memory_space<hbm>>
      tpu.enqueue_dma source(%arg10 : memref<16xi32, #tpu.memory_space<vmem>>) target(%dma_start3A_267 : memref<16xi32, #tpu.memory_space<hbm>>) target_semaphore(%run_scoped3A : memref<!tpu.dma_semaphore, #tpu.memory_space<semaphore_mem>>)
      %dma_wait3A_268 = arith.constant 0 : i32
      %dma_wait3A_269 = tpu.memref_slice %arg4[%add3A, %dma_wait3A_268] : memref<32x16xi32, #tpu.memory_space<hbm>> -> memref<1x16xi32, #tpu.memory_space<hbm>>
      %dma_wait3A_270 = tpu.memref_squeeze %dma_wait3A_269 : memref<1x16xi32, #tpu.memory_space<hbm>> -> memref<16xi32, #tpu.memory_space<hbm>>
      %dma_wait3A_271 = arith.constant 0 : i32
      %dma_wait3A_272 = tpu.memref_slice %arg4[%add3A, %dma_wait3A_271] : memref<32x16xi32, #tpu.memory_space<hbm>> -> memref<1x16xi32, #tpu.memory_space<hbm>>
      %dma_wait3A_273 = tpu.memref_squeeze %dma_wait3A_272 : memref<1x16xi32, #tpu.memory_space<hbm>> -> memref<16xi32, #tpu.memory_space<hbm>>
      tpu.wait_dma2 semaphore(%run_scoped3A : memref<!tpu.dma_semaphore, #tpu.memory_space<semaphore_mem>>) src(%arg10 : memref<16xi32, #tpu.memory_space<vmem>>) dst(%dma_wait3A_273 : memref<16xi32, #tpu.memory_space<hbm>>)
      tpu.yield
    }) : () -> ()
    "tpu.region"() ({
      %run_scoped3A = tpu.sem_alloc : memref<!tpu.dma_semaphore, #tpu.memory_space<semaphore_mem>>
      %dma_start3A_262 = arith.constant 0 : i32
      %dma_start3A_263 = tpu.memref_slice %arg5[%add3A, %dma_start3A_262] : memref<32x16xi32, #tpu.memory_space<hbm>> -> memref<1x16xi32, #tpu.memory_space<hbm>>
      %dma_start3A_264 = tpu.memref_squeeze %dma_start3A_263 : memref<1x16xi32, #tpu.memory_space<hbm>> -> memref<16xi32, #tpu.memory_space<hbm>>
      %dma_start3A_265 = arith.constant 0 : i32
      %dma_start3A_266 = tpu.memref_slice %arg5[%add3A, %dma_start3A_265] : memref<32x16xi32, #tpu.memory_space<hbm>> -> memref<1x16xi32, #tpu.memory_space<hbm>>
      %dma_start3A_267 = tpu.memref_squeeze %dma_start3A_266 : memref<1x16xi32, #tpu.memory_space<hbm>> -> memref<16xi32, #tpu.memory_space<hbm>>
      tpu.enqueue_dma source(%arg11 : memref<16xi32, #tpu.memory_space<vmem>>) target(%dma_start3A_267 : memref<16xi32, #tpu.memory_space<hbm>>) target_semaphore(%run_scoped3A : memref<!tpu.dma_semaphore, #tpu.memory_space<semaphore_mem>>)
      %dma_wait3A_268 = arith.constant 0 : i32
      %dma_wait3A_269 = tpu.memref_slice %arg5[%add3A, %dma_wait3A_268] : memref<32x16xi32, #tpu.memory_space<hbm>> -> memref<1x16xi32, #tpu.memory_space<hbm>>
      %dma_wait3A_270 = tpu.memref_squeeze %dma_wait3A_269 : memref<1x16xi32, #tpu.memory_space<hbm>> -> memref<16xi32, #tpu.memory_space<hbm>>
      %dma_wait3A_271 = arith.constant 0 : i32
      %dma_wait3A_272 = tpu.memref_slice %arg5[%add3A, %dma_wait3A_271] : memref<32x16xi32, #tpu.memory_space<hbm>> -> memref<1x16xi32, #tpu.memory_space<hbm>>
      %dma_wait3A_273 = tpu.memref_squeeze %dma_wait3A_272 : memref<1x16xi32, #tpu.memory_space<hbm>> -> memref<16xi32, #tpu.memory_space<hbm>>
      tpu.wait_dma2 semaphore(%run_scoped3A : memref<!tpu.dma_semaphore, #tpu.memory_space<semaphore_mem>>) src(%arg11 : memref<16xi32, #tpu.memory_space<vmem>>) dst(%dma_wait3A_273 : memref<16xi32, #tpu.memory_space<hbm>>)
      tpu.yield
    }) : () -> ()
    return
  }
}

module attributes {stable_mosaic.version = 14 : i64} {
  func.func @body(%arg0: memref<32x16xi32, #tpu.memory_space<vmem>>, %arg1: memref<32x16xi32, #tpu.memory_space<vmem>>, %arg2: memref<2xi32, #tpu.memory_space<smem>>, %arg3: memref<1x1xf32, #tpu.memory_space<vmem>>) attributes {dimension_semantics = [], scalar_prefetch = 0 : i64, scratch_operands = 0 : i64, tpu.core_type = #tpu.core_type<tc>} {
    %get3A = arith.constant 0 : index
    %get3A_0 = arith.constant 0 : index
    %get3A_1 = vector.load %arg0[%get3A, %get3A_0] : memref<32x16xi32, #tpu.memory_space<vmem>>, vector<32x16xi32>
    %reduce_sum3A = vector.shape_cast %get3A_1 : vector<32x16xi32> to vector<1x32x16xi32>
    %reduce_sum3A_2 = arith.constant dense<0> : vector<1xi32>
    %reduce_sum3A_3 = vector.multi_reduction <add>, %reduce_sum3A, %reduce_sum3A_2 [1, 2] : vector<1x32x16xi32> to vector<1xi32>
    %reduce_sum3A_4 = vector.shape_cast %reduce_sum3A_3 : vector<1xi32> to vector<1x1x1xi32>
    %reduce_sum3A_5 = vector.extract %reduce_sum3A_4[0, 0, 0] : i32 from vector<1x1x1xi32>
    %get3A_6 = arith.constant 0 : index
    %get3A_7 = memref.load %arg2[%get3A_6] : memref<2xi32, #tpu.memory_space<smem>>
    %add3A = arith.addi %reduce_sum3A_5, %get3A_7 : i32
    %get3A_8 = arith.constant 0 : index
    %get3A_9 = arith.constant 0 : index
    %get3A_10 = vector.load %arg1[%get3A_8, %get3A_9] : memref<32x16xi32, #tpu.memory_space<vmem>>, vector<32x16xi32>
    %reduce_sum3A_11 = vector.shape_cast %get3A_10 : vector<32x16xi32> to vector<1x32x16xi32>
    %reduce_sum3A_12 = arith.constant dense<0> : vector<1xi32>
    %reduce_sum3A_13 = vector.multi_reduction <add>, %reduce_sum3A_11, %reduce_sum3A_12 [1, 2] : vector<1x32x16xi32> to vector<1xi32>
    %reduce_sum3A_14 = vector.shape_cast %reduce_sum3A_13 : vector<1xi32> to vector<1x1x1xi32>
    %reduce_sum3A_15 = vector.extract %reduce_sum3A_14[0, 0, 0] : i32 from vector<1x1x1xi32>
    %get3A_16 = arith.constant 1 : index
    %get3A_17 = memref.load %arg2[%get3A_16] : memref<2xi32, #tpu.memory_space<smem>>
    %add3A_18 = arith.addi %reduce_sum3A_15, %get3A_17 : i32
    %sub3A = arith.constant 16777216 : i32
    %sub3A_19 = arith.subi %sub3A, %add3A_18 : i32
    %convert_element_type3A = arith.sitofp %sub3A_19 : i32 to f32
    %sub3A_20 = arith.constant 16777216 : i32
    %sub3A_21 = arith.subi %sub3A_20, %add3A : i32
    %convert_element_type3A_22 = arith.sitofp %sub3A_21 : i32 to f32
    %div3A = arith.divf %convert_element_type3A, %convert_element_type3A_22 : f32
    %broadcast_in_dim3A = vector.broadcast %div3A : f32 to vector<1x1xf32>
    %swap3A = arith.constant 0 : index
    %swap3A_23 = arith.constant 0 : index
    %swap3A_24 = vector.load %arg3[%swap3A, %swap3A_23] : memref<1x1xf32, #tpu.memory_space<vmem>>, vector<1x1xf32>
    tpu.vector_store %arg3[%swap3A, %swap3A_23], %broadcast_in_dim3A {strides = array<i32>} : memref<1x1xf32, #tpu.memory_space<vmem>>, vector<1x1xf32>,
    return
  }
}

module attributes {stable_mosaic.version = 14 : i64} {
  func.func @body(%arg0: i32, %arg1: memref<524288xi32, #tpu.memory_space<vmem>>, %arg2: memref<524288xi32, #tpu.memory_space<vmem>>, %arg3: memref<2xi32, #tpu.memory_space<smem>>, %arg4: memref<2xi32, #tpu.memory_space<smem>>) attributes {dimension_semantics = [#tpu.dimension_semantics<arbitrary>], iteration_bounds = array<i64: 14>, scalar_prefetch = 0 : i64, scratch_operands = 1 : i64, tpu.core_type = #tpu.core_type<tc>, window_params = [{transform_indices = @transform_0, window_bounds = array<i64: 524288>}, {transform_indices = @transform_1, window_bounds = array<i64: 524288>}, {transform_indices = @transform_2, window_bounds = array<i64: 2>}]} {
    %get3A = arith.constant 0 : index
    %get3A_0 = vector.load %arg1[%get3A] : memref<524288xi32, #tpu.memory_space<vmem>>, vector<524288xi32>
    %get3A_1 = arith.constant 0 : index
    %get3A_2 = vector.load %arg2[%get3A_1] : memref<524288xi32, #tpu.memory_space<vmem>>, vector<524288xi32>
    %reduce_sum3A = vector.shape_cast %get3A_0 : vector<524288xi32> to vector<1x524288xi32>
    %reduce_sum3A_3 = arith.constant dense<0> : vector<1xi32>
    %reduce_sum3A_4 = vector.multi_reduction <add>, %reduce_sum3A, %reduce_sum3A_3 [1] : vector<1x524288xi32> to vector<1xi32>
    %reduce_sum3A_5 = vector.shape_cast %reduce_sum3A_4 : vector<1xi32> to vector<1x1xi32>
    %reduce_sum3A_6 = vector.extract %reduce_sum3A_5[0, 0] : i32 from vector<1x1xi32>
    %or3A = arith.ori %get3A_0, %get3A_2 : vector<524288xi32>
    %reduce_sum3A_7 = vector.shape_cast %or3A : vector<524288xi32> to vector<1x524288xi32>
    %reduce_sum3A_8 = arith.constant dense<0> : vector<1xi32>
    %reduce_sum3A_9 = vector.multi_reduction <add>, %reduce_sum3A_7, %reduce_sum3A_8 [1] : vector<1x524288xi32> to vector<1xi32>
    %reduce_sum3A_10 = vector.shape_cast %reduce_sum3A_9 : vector<1xi32> to vector<1x1xi32>
    %reduce_sum3A_11 = vector.extract %reduce_sum3A_10[0, 0] : i32 from vector<1x1xi32>
    %eq3A = arith.constant 0 : i32
    %eq3A_12 = arith.cmpi eq, %arg0, %eq3A : i32
    %convert_element_type3A = arith.extui %eq3A_12 : i1 to i32
    %cond3A = arith.constant 0 : i32
    %cond3A_13 = arith.cmpi ne, %convert_element_type3A, %cond3A : i32
    scf.if %cond3A_13 {
      %swap3A = arith.constant 0 : index
      %swap3A_23 = memref.load %arg4[%swap3A] : memref<2xi32, #tpu.memory_space<smem>>
      memref.store %reduce_sum3A_6, %arg4[%swap3A] : memref<2xi32, #tpu.memory_space<smem>>
      %swap3A_24 = arith.constant 1 : index
      %swap3A_25 = memref.load %arg4[%swap3A_24] : memref<2xi32, #tpu.memory_space<smem>>
      memref.store %reduce_sum3A_11, %arg4[%swap3A_24] : memref<2xi32, #tpu.memory_space<smem>>
    } else {
    }
    %gt3A = arith.constant 0 : i32
    %gt3A_14 = arith.cmpi sgt, %arg0, %gt3A : i32
    %convert_element_type3A_15 = arith.extui %gt3A_14 : i1 to i32
    %cond3A_16 = arith.constant 0 : i32
    %cond3A_17 = arith.cmpi ne, %convert_element_type3A_15, %cond3A_16 : i32
    scf.if %cond3A_17 {
      %get3A_23 = arith.constant 0 : index
      %get3A_24 = memref.load %arg4[%get3A_23] : memref<2xi32, #tpu.memory_space<smem>>
      %add3A = arith.addi %get3A_24, %reduce_sum3A_6 : i32
      %swap3A = arith.constant 0 : index
      %swap3A_25 = memref.load %arg4[%swap3A] : memref<2xi32, #tpu.memory_space<smem>>
      memref.store %add3A, %arg4[%swap3A] : memref<2xi32, #tpu.memory_space<smem>>
      %get3A_26 = arith.constant 1 : index
      %get3A_27 = memref.load %arg4[%get3A_26] : memref<2xi32, #tpu.memory_space<smem>>
      %add3A_28 = arith.addi %get3A_27, %reduce_sum3A_11 : i32
      %swap3A_29 = arith.constant 1 : index
      %swap3A_30 = memref.load %arg4[%swap3A_29] : memref<2xi32, #tpu.memory_space<smem>>
      memref.store %add3A_28, %arg4[%swap3A_29] : memref<2xi32, #tpu.memory_space<smem>>
    } else {
    }
    %eq3A_18 = arith.constant 13 : i32
    %eq3A_19 = arith.cmpi eq, %arg0, %eq3A_18 : i32
    %convert_element_type3A_20 = arith.extui %eq3A_19 : i1 to i32
    %cond3A_21 = arith.constant 0 : i32
    %cond3A_22 = arith.cmpi ne, %convert_element_type3A_20, %cond3A_21 : i32
    scf.if %cond3A_22 {
      %get3A_23 = arith.constant 0 : index
      %get3A_24 = memref.load %arg4[%get3A_23] : memref<2xi32, #tpu.memory_space<smem>>
      %swap3A = arith.constant 0 : index
      %swap3A_25 = memref.load %arg3[%swap3A] : memref<2xi32, #tpu.memory_space<smem>>
      memref.store %get3A_24, %arg3[%swap3A] : memref<2xi32, #tpu.memory_space<smem>>
      %get3A_26 = arith.constant 1 : index
      %get3A_27 = memref.load %arg4[%get3A_26] : memref<2xi32, #tpu.memory_space<smem>>
      %swap3A_28 = arith.constant 1 : index
      %swap3A_29 = memref.load %arg3[%swap3A_28] : memref<2xi32, #tpu.memory_space<smem>>
      memref.store %get3A_27, %arg3[%swap3A_28] : memref<2xi32, #tpu.memory_space<smem>>
    } else {
    }
    return
  }
  func.func @transform_0(%arg0: i32) -> i32 {
    %add3A = arith.constant 18 : i32
    %add3A_0 = arith.addi %add3A, %arg0 : i32
    %c0_i32 = arith.constant 0 : i32
    return %add3A_0 : i32
  }
  func.func @transform_1(%arg0: i32) -> i32 {
    %add3A = arith.constant 18 : i32
    %add3A_0 = arith.addi %add3A, %arg0 : i32
    %c0_i32 = arith.constant 0 : i32
    return %add3A_0 : i32
  }
  func.func @transform_2(%arg0: i32) -> i32 {
    %c0_i32 = arith.constant 0 : i32
    %c0_i32_0 = arith.constant 0 : i32
    return %c0_i32 : i32
  }
}

</mosaic_0001>

<sc_bundles>
// kernel: kernel.5.cloned.1.call-start
scs
__scs_entry_jumppad:
0x0: {  	(pc) =	sbr.rel $0x88, $3  }
0x1: {  	(tag) =	ssettag $0x0;
	lr =	simm.s32 $0x1  }
0x2: {  	[smem:$0x3F9F] =	sst lr;
	_ =	strace $0xD0000000  }
0x3: {  	_ = 	snop  }
0x4: {  	_ = 	snop  }
0x5: {  	_ = 	snop  }
0x6: {  	_ = 	snop  }
0x7: {  	_ = 	snop  }
__scs_overlays_trampoline_lowered:
0x8: {  	[smem:$0x3FAE] =	sst s0  }
0x9: {  	[smem:$0x3FAF] =	sst s1  }
0xa: {  	[smem:$0x3FB0] =	sst s2  }
0xb: {  	[smem:$0x3FB1] =	sst s3  }
0xc: {  	[smem:$0x3FB2] =	sst s4  }
0xd: {  	[smem:$0x3FB3] =	sst s5  }
0xe: {  	[smem:$0x3FB4] =	sst s6  }
0xf: {  	[smem:$0x3FB5] =	sst s7  }
0x10: {  	[smem:$0x3FB6] =	sst s8  }
0x11: {  	[smem:$0x3FB7] =	sst s9;
	s0 =	simm.s32 @!p0 $0x0  }
0x12: {  	s1 =	sld [smem:$0x3F9D];
	s0 =	simm.s32 @p0 $0x1  }
0x13: {  	[smem:$0x3FB8] =	sst s0;
	s0 =	simm.s32 @!p1 $0x0  }
0x14: {  	s2 =	sld [smem:$0x3F9C];
	s0 =	simm.s32 @p1 $0x1  }
0x15: {  	[smem:$0x3FB9] =	sst s0;
	s0 =	simm.s32 @!p2 $0x0  }
0x16: {  	s3 =	sld [smem:$0x3FDB];
	s0 =	simm.s32 @p2 $0x1  }
0x17: {  	s4 =	simm.s32 $0x1BF5;
	[smem:$0x3FBB] =	sst s0  }
0x18: {  	s0 =	sld [smem:$0x3F9E];
	_ =	swait.ge [sflag:s4], $0x0  }
0x19: {  	s7 =	sld [smem:$0x3F9F]  }
0x1a: {  	s8 =	sadd.s32 $0xFFFFE003, lr  }
0x1b: {  	s9 =	sadd.s32 $0xFFFFFEF7, lr;
	s5 =	simm.s32 $0xFFFFFFFF;
	p2 =	slt.u32 s8, $0xFFFFF086  }
0x1c: {  	p1 =	slt.u32 s9, $0xF7A;
	s5 =	simm.s32 @!p2 $0x0  }
0x1d: {  	s5 =	simm.s32 @p1 $0x1;
	p0 =	seq.s32 s7, s2  }
0x1e: {  	s7 =	smul.u32 @!p0 $0xF7A, s2;
	p2 =	seq.s32 @!p0 s5, $0x0  }
0x1f: {  	s9 =	smul.u32 $0xF7A, s1;
	s8 =	simm.s32 @!p0 $0x1BF5;
	p2 =	por !p2, p0  }
0x20: {  	[sflag:s8] =	ssyncset.s32 @!p0 $0xFFFFF086;
	s6 =	sadd.s32 @!p0 s3, s7;
	s7 =	simm.s32 @!p0 $0x108  }
0x21: {  	s3 =	sadd.s32 s3, s9;
	s6 =	sadd.s32 @!p0 $0x88, s6;
	s7 =	simm.s32 @p2 $0x1082  }
0x22: {  	[simem:s7], [sflag:s8] =	dma.local @!p0 [hbm:s6], $0xF7A  }
0x23: {  	s9 =	sor.u32 $0xD0000000, s2;
	s6 =	simm.s32 $0x108;
	_ =	swait.ge @!p0 [sflag:s8], $0x0  }
0x24: {  	s3 =	sadd.s32 $0x88, s3;
	s6 =	simm.s32 @!p1 $0x1082;
	[sflag:s4] =	ssyncset.s32 $0xFFFFF086  }
0x25: {  	[simem:s6], [sflag:s4] =	dma.local [hbm:s3], $0xF7A  }
0x26: {  	[smem:$0x3F9F] =	sst s1;
	(tag) =	ssettag s2;
	_ =	strace s9  }
0x27: {  	s1 =	sld [smem:$0x3FAF]  }
0x28: {  	s2 =	sld [smem:$0x3FB0]  }
0x29: {  	s4 =	sld [smem:$0x3FB2]  }
0x2a: {  	p0 =	seq.s32 s5, $0x0;
	s5 =	sld [smem:$0x3FB3]  }
0x2b: {  	s6 =	sld [smem:$0x3FB4]  }
0x2c: {  	s7 =	sld [smem:$0x3FB5]  }
0x2d: {  	s3 =	simm.s32 $0x108;
	s8 =	sld [smem:$0x3FB6]  }
0x2e: {  	s3 =	simm.s32 @!p0 $0x1082;
	s9 =	sld [smem:$0x3FB7]  }
0x2f: {  	lr =	sadd.s32 s0, s3;
	s0 =	sld [smem:$0x3FAE]  }
0x30: {  	s3 =	sld [smem:$0x3FB1]  }
0x31: {  	[smem:$0x3FBA] =	sst s10  }
0x32: {  	s10 =	sld [smem:$0x3FB8];
	_ =	sdelay $0x3  }
0x33: {  	p0 =	seq.s32 s10, $0x1;
	s10 =	sld [smem:$0x3FBA];
	_ =	sdelay $0x3  }
0x34: {  	[smem:$0x3FBA] =	sst s10  }
0x35: {  	s10 =	sld [smem:$0x3FB9];
	_ =	sdelay $0x3  }
0x36: {  	p1 =	seq.s32 s10, $0x1;
	s10 =	sld [smem:$0x3FBA];
	_ =	sdelay $0x3  }
0x37: {  	[smem:$0x3FBA] =	sst s10  }
0x38: {  	s10 =	sld [smem:$0x3FBB]  }
0x39: {  	_ = 	snop;
	(pc) =	sbr.ind lr, $3  }
0x3a: {  	_ = 	snop  }
0x3b: {  	_ = 	snop  }
0x3c: {  	p2 =	seq.s32 s10, $0x1;
	s10 =	sld [smem:$0x3FBA]  }
0x3d: {  	_ =	shalt  }
0x3e: {  	_ =	shalt  }
0x3f: {  	_ =	shalt  }
0x40: {  	_ =	shalt  }
0x41: {  	_ =	shalt  }
0x42: {  	_ =	shalt  }
0x43: {  	_ =	shalt  }
0x44: {  	_ =	shalt  }
0x45: {  	_ =	shalt  }
0x46: {  	_ =	shalt  }
0x47: {  	_ =	shalt  }
0x48: {  	_ =	shalt  }
0x49: {  	_ =	shalt  }
0x4a: {  	_ =	shalt  }
0x4b: {  	_ =	shalt  }
0x4c: {  	_ =	shalt  }
0x4d: {  	_ =	shalt  }
0x4e: {  	_ =	shalt  }
0x4f: {  	_ =	shalt  }
0x50: {  	_ =	shalt  }
0x51: {  	_ =	shalt  }
0x52: {  	_ =	shalt  }
0x53: {  	_ =	shalt  }
0x54: {  	_ =	shalt  }
0x55: {  	_ =	shalt  }
0x56: {  	_ =	shalt  }
0x57: {  	_ =	shalt  }
0x58: {  	_ =	shalt  }
0x59: {  	_ =	shalt  }
0x5a: {  	_ =	shalt  }
0x5b: {  	_ =	shalt  }
0x5c: {  	_ =	shalt  }
0x5d: {  	_ =	shalt  }
0x5e: {  	_ =	shalt  }
0x5f: {  	_ =	shalt  }
0x60: {  	_ =	shalt  }
0x61: {  	_ =	shalt  }
0x62: {  	_ =	shalt  }
0x63: {  	_ =	shalt  }
0x64: {  	_ =	shalt  }
0x65: {  	_ =	shalt  }
0x66: {  	_ =	shalt  }
0x67: {  	_ =	shalt  }
0x68: {  	_ =	shalt  }
0x69: {  	_ =	shalt  }
0x6a: {  	_ =	shalt  }
0x6b: {  	_ =	shalt  }
0x6c: {  	_ =	shalt  }
0x6d: {  	_ =	shalt  }
0x6e: {  	_ =	shalt  }
0x6f: {  	_ =	shalt  }
0x70: {  	_ =	shalt  }
0x71: {  	_ =	shalt  }
0x72: {  	_ =	shalt  }
0x73: {  	_ =	shalt  }
0x74: {  	_ =	shalt  }
0x75: {  	_ =	shalt  }
0x76: {  	_ =	shalt  }
0x77: {  	_ =	shalt  }
0x78: {  	_ =	shalt  }
0x79: {  	_ =	shalt  }
0x7a: {  	_ =	shalt  }
0x7b: {  	_ =	shalt  }
0x7c: {  	_ =	shalt  }
0x7d: {  	_ =	shalt  }
0x7e: {  	_ =	shalt  }
0x7f: {  	_ =	shalt  }
0x80: {  	_ =	shalt  }
0x81: {  	_ =	shalt  }
0x82: {  	_ =	shalt  }
0x83: {  	_ =	shalt  }
0x84: {  	_ =	shalt  }
0x85: {  	_ =	shalt  }
0x86: {  	_ =	shalt  }
0x87: {  	_ =	shalt  }
.Lfunc_end0:
.L_simem_size_0:
called_computation_lowered:
.L_overlay_start_0:
0x88: {  	s2 =	sld [smem:$0x3FD9]  }
0x89: {  	s3 =	sld [smem:$0x3FFE];
	_ =	sdelay $0x1  }
0x8a: {  	s1 =	srdreg.scid  }
0x8b: {  	s0 =	sand.u32 $0x1, s1  }
0x8c: {  	s17 =	sshll.u32 s0, $0xA;
	s2 =	sadd.s32 s3, s2  }
0x8d: {  	s2 =	sadd.s32 s2, s17  }
0x8e: {  	[smem:$0x3FC6] =	sst s2  }
0x8f: {  	_ = 	snop  }
0x90: {  	s2 =	sld [smem:$0x3FC9]  }
0x91: {  	s18 =	sld [smem:$0x3FC8];
	(tm) =	ssettm $0x1  }
0x92: {  	s4 =	sld [smem:$0x3FFB];
	_ =	sdelay $0x3  }
0x93: {  	_ =	strace s4  }
0x94: {  	s4 =	sld [smem:$0x3FFC];
	_ =	sdelay $0x3  }
0x95: {  	_ =	strace s4  }
0x96: {  	s4 =	sld [smem:$0x3FFD];
	_ =	sdelay $0x3  }
0x97: {  	_ =	strace s4  }
0x98: {  	_ =	strace $0x8FFFFFFF  }
0x99: {  	s19 =	sld [smem:$0x3FDB];
	_ =	sdelay $0x1  }
0x9a: {  	s5 =	simm.s32 $_scs_section_size  }
0x9b: {  	s6 =	simm.s32 $_size__tile_overlayer_lowered;
	s7 =	simm.s32 $_tile_overlayer_lowered  }
0x9c: {  	s22 =	simm.s32 $0x1BFF;
	s21 =	sshll.u32 s7, $0x1;
	s4 =	sadd.s32 s5, s19  }
0x9d: {  	s8 =	simm.s32 $0x0;
	s20 =	sshll.u32 s6, $0x1;
	s6 =	sadd.s32 s21, s4  }
0x9e: {  	[timem:s8], [sflag:s22] =	dma.local [hbm:s6], s20  }
0x9f: {  	_ =	swait.ge [sflag:s22], s20  }
0xa0: {  	s5 =	ssub.s32 $0x0, s20;
	[sflag:s22] =	ssyncset.done $0x0  }
0xa1: {  	[sflag:s22] =	ssyncadd.s32 s5;
	_ =	sdelay $0x1  }
0xa2: {  	s23 =	simm.s32 $0x1B8B  }
0xa3: {  	_ =	swait.ge [sflag:s23], $0x1  }
0xa4: {  	[sflag:s23] =	ssyncset.done $0x0  }
0xa5: {  	s25 =	simm.s32 $0x1B8E;
	s24 =	sld [smem:$0x3FFE];
	[sflag:s23] =	ssyncadd.s32 $0xFFFFFFFF  }
0xa6: {  	s26 =	simm.s32 $execute0_lowered;
	[smem:$0x3FD2] =	sst s25  }
0xa7: {  	s6 =	sshll.u32 s26, $0x1;
	_ =	strace $0x80000046;
	[dreg:$0x1] =	wrdreg $0xFFFFFFFF  }
0xa8: {  	s28 =	simm.s32 $_size_execute0_lowered;
	s4 =	sadd.s32 s4, s6;
	[dreg:$0x0] =	wrdreg $0x0  }
0xa9: {  	s6 =	sshll.u32 s28, $0x1;
	[dreg:$0x2] =	wrdreg s4  }
0xaa: {  	[dreg:$0x3] =	wrdreg s6  }
0xab: {  	[dreg:$0x4] =	wrdreg $0xC0  }
0xac: {  	_ =	task [dreg:s8], $0x5FFFF  }
0xad: {  	[dreg:$0x1] =	wrdreg $0xFFFFFFFF  }
0xae: {  	[dreg:$0x0] =	wrdreg $0x60  }
0xaf: {  	[dreg:$0x2] =	wrdreg s2  }
0xb0: {  	[dreg:$0x3] =	wrdreg s18  }
0xb1: {  	[dreg:$0x4] =	wrdreg s24  }
0xb2: {  	[dreg:$0x5] =	wrdreg $0x9  }
0xb3: {  	_ =	task.clear_ibuf [dreg:s8], $0x6FFFF;
	_ =	strace $0x90000046  }
0xb4: {  	s29 =	simm.s32 $0x9;
	_ =	strace $0x80000048  }
0xb5: {  	_ =	swait.ge [sflag:s29], $0x1  }
0xb6: {  	[sflag:s29] =	ssyncadd.s32 $0xFFFFFFFF  }
0xb7: {  	_ =	strace $0x90000048  }
0xb8: {  	_ =	sfence  }
0xb9: {  	s30 =	sld [smem:$0x0];
	_ =	sdelay $0x2  }
0xba: {  	s31 =	sshll.u32 s1, $0xD;
	s1 =	sshrl.u32 s1, $0x2  }
0xbb: {  	s3 =	sand.u32 $0x4000, s31;
	s1 =	sadd.s32 s1, s30  }
0xbc: {  	s0 =	sor.u32 s3, s0;
	s1 =	sshll.u32 s1, $0x11  }
0xbd: {  	s0 =	sor.u32 s1, s0  }
0xbe: {  	s0 =	sadd.s32 $0x8F2B, s0  }
0xbf: {  	[sflag:s0] =	ssyncadd.remote.s32 $0x1  }
0xc0: {  	_ =	sfence.sel $0xFFFF  }
0xc1: {  	[dreg:$0x0] =	wrdreg $0xFFFFFFFF;
	(pc) =	sbr.abs _section_cstart, $3  }
0xc2: {  	[dreg:$0x1] =	wrdreg $0xFFFFFFFF  }
0xc3: {  	_ =	task.clear_ibuf [dreg:s8], $0x2FFFF;
	_ =	strace $0x9FFFFFFF  }
0xc4: {  	(tm) =	ssettm $0x7FFFFFFF  }
0xc5: {  	_ =	shalt  }
tec
execute0_lowered:
.L_overlay_start_1:
0x0: {  	(tag) =	ssettag $0x1  }
0x1: {  	s0 =	srdreg.scid;
	s1 =	stileid.u32  }
0x2: {  	s0 =	sand.u32 $0x1, s0;
	s1 =	sshll.u32 s1, $0x1  }
0x3: {  	s6 =	rddreg [dreg:$0x0];
	s2 =	sor.u32 s0, s1  }
0x4: {  	s7 =	rddreg [dreg:$0x1];
	s4 =	smul.u32 $0x48000, s2  }
0x5: {  	s3 =	rddreg [dreg:$0x2];
	s1 =	simm.s32 $0x0;
	s0 =	ssub.s32 $0x2, s0  }
0x6: {  	[smem:$0x7FF] =	sst s1;
	s13 =	sshrl.u32 s0, $0x1;
	s8 =	sshrl.u32 s4, $0x3  }
0x7: {  	s2 =	sshll.u32 s2, $0x4;
	s10 =	ssub.s32 s0, s13;
	s14 =	sor.u32 $0x800, s8  }
0x8: {  	s9 =	sadd.s32 s2, s3;
	s10 =	smax.u32 s10, $0x1;
	s15 =	sadd.s32 s6, s14  }
0x9: {  	s16 =	sadd.s32 $0x1000, s8;
	s17 =	sadd.s32 s7, s14;
	[dreg:$0x4] =	wrdreg s15  }
0xa: {  	s19 =	sadd.s32 $0x1800, s8;
	s18 =	sadd.s32 s6, s16;
	[dreg:$0x5] =	wrdreg s17  }
0xb: {  	s21 =	sadd.s32 $0x2000, s8;
	s0 =	sadd.s32 s7, s16;
	[dreg:$0x6] =	wrdreg s18  }
0xc: {  	s23 =	sadd.s32 $0x2800, s8;
	s20 =	sadd.s32 s6, s19;
	[dreg:$0x7] =	wrdreg s0  }
0xd: {  	s25 =	sadd.s32 $0x3000, s8;
	s2 =	sadd.s32 s7, s19;
	[dreg:$0x8] =	wrdreg s20  }
0xe: {  	s3 =	sadd.s32 $0x3800, s8;
	s22 =	sadd.s32 s6, s21;
	[dreg:$0x9] =	wrdreg s2  }
0xf: {  	s5 =	sadd.s32 $0x4000, s8;
	s24 =	sadd.s32 s6, s23;
	[dreg:$0xa] =	wrdreg s22  }
0x10: {  	s12 =	sadd.s32 $0x4800, s8;
	s26 =	sadd.s32 s6, s25;
	[dreg:$0xc] =	wrdreg s24  }
0x11: {  	s4 =	sadd.s32 s6, s3;
	s11 =	sadd.s32 s6, s5;
	[dreg:$0xe] =	wrdreg s26  }
0x12: {  	s13 =	sadd.s32 s6, s12;
	s14 =	sadd.s32 $0x5000, s8;
	[dreg:$0x10] =	wrdreg s4  }
0x13: {  	s16 =	sadd.s32 $0x5800, s8;
	s19 =	sadd.s32 $0x6800, s8;
	[dreg:$0x12] =	wrdreg s11  }
0x14: {  	s0 =	sadd.s32 s7, s21;
	s2 =	sadd.s32 s7, s23;
	[dreg:$0x14] =	wrdreg s13  }
0x15: {  	s15 =	sadd.s32 s6, s14;
	s17 =	sadd.s32 s6, s16;
	s18 =	sadd.s32 $0x6000, s8  }
0x16: {  	s23 =	sadd.s32 s7, s16;
	s26 =	sadd.s32 s6, s19;
	s20 =	sadd.s32 $0x7000, s8  }
0x17: {  	s28 =	sadd.s32 s7, s19;
	s21 =	sadd.s32 $0x7800, s8;
	s22 =	sadd.s32 $0x8000, s8  }
0x18: {  	s4 =	sadd.s32 s6, s8;
	s11 =	simm.s32 $0x8000;
	[dreg:$0xb] =	wrdreg s0  }
0x19: {  	s13 =	simm.s32 $0xC000;
	s16 =	simm.s32 $0x2;
	[dreg:$0xd] =	wrdreg s2  }
0x1a: {  	s19 =	simm.s32 $0x0;
	s0 =	sadd.s32 s7, s25;
	[dreg:$0x16] =	wrdreg s15  }
0x1b: {  	s2 =	sadd.s32 s7, s3;
	[dreg:$0x18] =	wrdreg s17;
	s24 =	sadd.s32 s6, s18  }
0x1c: {  	s25 =	sadd.s32 s7, s18;
	s29 =	sadd.s32 s6, s20;
	s30 =	sadd.s32 s7, s20  }
0x1d: {  	s31 =	sadd.s32 s6, s21;
	s3 =	sadd.s32 s7, s22;
	s15 =	simm.s32 $0x3  }
0x1e: {  	s17 =	simm.s32 $0x4;
	s18 =	simm.s32 $0x5;
	[dreg:$0xf] =	wrdreg s0  }
0x1f: {  	[dreg:$0x11] =	wrdreg s2;
	s0 =	sadd.s32 s7, s5;
	s2 =	sadd.s32 s7, s12  }
0x20: {  	s5 =	sadd.s32 s7, s8;
	s8 =	sadd.s32 $0x8800, s8;
	[dreg:$0x13] =	wrdreg s0  }
0x21: {  	s12 =	simm.s32 $0x4000;
	[dreg:$0x15] =	wrdreg s2;
	s0 =	sadd.s32 s7, s14  }
0x22: {  	s2 =	sadd.s32 s6, s22;
	s6 =	sadd.s32 s6, s8;
	s14 =	simm.s32 $0x1  }
0x23: {  	[dreg:$0x17] =	wrdreg s0;
	s0 =	sadd.s32 s7, s21;
	s7 =	sadd.s32 s7, s8  }
0x24: {  	s8 =	sadd.s32 $0xC00, s9;
	s9 =	sadd.s32 $0xE00, s9;
	_ =	strace $0x80000047  }
.LBB2_1:
0x25: {  	[tilespmem:s1], [sflag:$0x1] =	stream.linear.gather [hbm4b:s4+s1], $0x4000, $0x38;
	[tilespmem:$0x10100] =	vst v63  }
0x26: {  	_ = 	snop  }
0x27: {  	[tilespmem:s11], [sflag:$0x3] =	stream.linear.gather [hbm4b:s5+s1], $0x4000, $0x38;
	[tilespmem:$0x10100] =	vst v63  }
0x28: {  	s20 =	rddreg [dreg:$0x4]  }
0x29: {  	[tilespmem:s12], [sflag:$0x2] =	stream.linear.gather [hbm4b:s20+s1], $0x4000, $0x38;
	[tilespmem:$0x10100] =	vst v63  }
0x2a: {  	s21 =	rddreg [dreg:$0x5]  }
0x2b: {  	[tilespmem:s13], [sflag:$0x4] =	stream.linear.gather [hbm4b:s21+s1], $0x4000, $0x38;
	[tilespmem:$0x10100] =	vst v63  }
0x2c: {  	_ =	swait.ge [sflag:s14], $0x4000  }
0x2d: {  	[sflag:s14] =	ssyncset.done $0x0  }
0x2e: {  	[sflag:s14] =	ssyncadd.s32 $0xFFFFC000  }
0x2f: {  	_ =	swait.ge [sflag:s15], $0x4000  }
0x30: {  	[sflag:s15] =	ssyncset.done $0x0  }
0x31: {  	s22 =	simm.s32 $0x10;
	[sflag:s15] =	ssyncadd.s32 $0xFFFFC000  }
0x32: {  	s21 =	simm.s32 $0x8010;
	v2 =	vld [tilespmem:s22+$0xFFFFFFF0]  }
0x33: {  	v0 =	vld [tilespmem:s21+$0x0]  }
0x34: {  	v6 =	vld [tilespmem:s22+$0x0]  }
0x35: {  	v8 =	vld [tilespmem:s21+$0xFFFFFFF0]  }
0x36: {  	s20 =	simm.s32 $0x30  }
0x37: {  	v1 =	vld [tilespmem:s20+$0xFFFFFFF0]  }
0x38: {  	v3 =	vimm.s32 $0x0  }
0x39: {  	s21 =	simm.s32 $0x8030;
	v7 =	vld [tilespmem:s20+$0x0];
	v4 =	vadd.s32 v3, v6;
	v0 =	vor.u32 v6, v0  }
0x3a: {  	s22 =	simm.s32 $0x20;
	v5 =	vld [tilespmem:s21+$0x0];
	v9 =	vor.u32 v2, v8;
	v8 =	vimm.s32 $0x0;
	v6 =	vadd.s32 v3, v0  }
.LBB2_2:
0x3b: {  	s22 =	sadd.s32 $0x20, s22  }
0x3c: {  	v0 =	vld [tilespmem:s21+$0xFFFFFFF0];
	s20 =	sadd.s32 $0x20, s20;
	v3 =	vadd.s32 v3, v2;
	v8 =	vadd.s32 v8, v9;
	v2 =	vmov v1;
	p0 =	slt.u32 s22, $0x3FE0  }
.Ltmp0:
0x3d: {  	v1 =	vld [tilespmem:s20+$0xFFFFFFF0];
	(pc) =	sbr.rel @p0 .LBB2_2-.Ltmp0, $4  }
0x3e: {  	_ = 	snop  }
0x3f: {  	s21 =	sadd.s32 $0x20, s21  }
0x40: {  	v4 =	vadd.s32 v4, v7;
	v10 =	vor.u32 v7, v5;
	v5 =	vld [tilespmem:s21+$0x0]  }
0x41: {  	v7 =	vld [tilespmem:s20+$0x0];
	v9 =	vor.u32 v2, v0;
	v6 =	vadd.s32 v6, v10  }
0x42: {  	s20 =	rddreg [dreg:$0x6]  }
0x43: {  	v10 =	vld [tilespmem:s21+$0xFFFFFFF0];
	[tilespmem:s1], [sflag:$0x1] =	stream.linear.gather [hbm4b:s20+s1], $0x4000, $0x38  }
0x44: {  	s22 =	rddreg [dreg:$0x7]  }
0x45: {  	[tilespmem:s11], [sflag:$0x3] =	stream.linear.gather [hbm4b:s22+s1], $0x4000, $0x38;
	[tilespmem:$0x10100] =	vst v63  }
0x46: {  	_ =	swait.ge [sflag:s16], $0x4000  }
0x47: {  	[sflag:s16] =	ssyncset.done $0x0  }
0x48: {  	[sflag:s16] =	ssyncadd.s32 $0xFFFFC000  }
0x49: {  	_ =	swait.ge [sflag:s17], $0x4000  }
0x4a: {  	[sflag:s17] =	ssyncset.done $0x0  }
0x4b: {  	s21 =	simm.s32 $0x4010;
	[sflag:s17] =	ssyncadd.s32 $0xFFFFC000  }
0x4c: {  	s22 =	simm.s32 $0xC010;
	v0 =	vld [tilespmem:s21+$0xFFFFFFF0]  }
0x4d: {  	v11 =	vld [tilespmem:s22+$0x0]  }
0x4e: {  	v12 =	vld [tilespmem:s21+$0x0]  }
0x4f: {  	v13 =	vld [tilespmem:s22+$0xFFFFFFF0]  }
0x50: {  	v3 =	vadd.s32 v3, v2;
	s20 =	simm.s32 $0x4030;
	v2 =	vor.u32 v7, v5  }
0x51: {  	v5 =	vadd.s32 v4, v7;
	v7 =	vadd.s32 v6, v2;
	v2 =	vld [tilespmem:s20+$0xFFFFFFF0]  }
0x52: {  	v8 =	vadd.s32 v8, v9;
	v4 =	vor.u32 v1, v10  }
0x53: {  	v3 =	vadd.s32 v3, v1;
	v4 =	vadd.s32 v8, v4;
	s21 =	simm.s32 $0xC030;
	v8 =	vld [tilespmem:s20+$0x0];
	v1 =	vor.u32 v12, v11  }
0x54: {  	s22 =	simm.s32 $0x20;
	v6 =	vld [tilespmem:s21+$0x0];
	v5 =	vadd.s32 v5, v12;
	v9 =	vor.u32 v0, v13;
	v7 =	vadd.s32 v7, v1  }
.LBB2_4:
0x55: {  	s22 =	sadd.s32 $0x20, s22  }
0x56: {  	v1 =	vld [tilespmem:s21+$0xFFFFFFF0];
	s20 =	sadd.s32 $0x20, s20;
	v3 =	vadd.s32 v3, v0;
	v4 =	vadd.s32 v4, v9;
	v0 =	vmov v2;
	p0 =	slt.u32 s22, $0x3FE0  }
.Ltmp1:
0x57: {  	v2 =	vld [tilespmem:s20+$0xFFFFFFF0];
	(pc) =	sbr.rel @p0 .LBB2_4-.Ltmp1, $4  }
0x58: {  	_ = 	snop  }
0x59: {  	s21 =	sadd.s32 $0x20, s21  }
0x5a: {  	v5 =	vadd.s32 v5, v8;
	v10 =	vor.u32 v8, v6;
	v6 =	vld [tilespmem:s21+$0x0]  }
0x5b: {  	v8 =	vld [tilespmem:s20+$0x0];
	v9 =	vor.u32 v0, v1;
	v7 =	vadd.s32 v7, v10  }
0x5c: {  	s20 =	rddreg [dreg:$0x8]  }
0x5d: {  	v10 =	vld [tilespmem:s21+$0xFFFFFFF0];
	[tilespmem:s12], [sflag:$0x2] =	stream.linear.gather [hbm4b:s20+s1], $0x4000, $0x38  }
0x5e: {  	s22 =	rddreg [dreg:$0x9]  }
0x5f: {  	[tilespmem:s13], [sflag:$0x4] =	stream.linear.gather [hbm4b:s22+s1], $0x4000, $0x38;
	[tilespmem:$0x10100] =	vst v63  }
0x60: {  	_ =	swait.ge [sflag:s14], $0x4000  }
0x61: {  	[sflag:s14] =	ssyncset.done $0x0  }
0x62: {  	[sflag:s14] =	ssyncadd.s32 $0xFFFFC000  }
0x63: {  	_ =	swait.ge [sflag:s15], $0x4000  }
0x64: {  	[sflag:s15] =	ssyncset.done $0x0  }
0x65: {  	s21 =	simm.s32 $0x10;
	[sflag:s15] =	ssyncadd.s32 $0xFFFFC000  }
0x66: {  	s22 =	simm.s32 $0x8010;
	v1 =	vld [tilespmem:s21+$0xFFFFFFF0]  }
0x67: {  	v11 =	vld [tilespmem:s22+$0x0]  }
0x68: {  	v12 =	vld [tilespmem:s21+$0x0]  }
0x69: {  	v13 =	vld [tilespmem:s22+$0xFFFFFFF0]  }
0x6a: {  	v0 =	vadd.s32 v3, v0;
	s20 =	simm.s32 $0x30;
	v3 =	vor.u32 v8, v6  }
0x6b: {  	v7 =	vadd.s32 v7, v3;
	v3 =	vld [tilespmem:s20+$0xFFFFFFF0]  }
0x6c: {  	v4 =	vadd.s32 v4, v9;
	v5 =	vadd.s32 v5, v8;
	v6 =	vor.u32 v2, v10  }
0x6d: {  	v2 =	vadd.s32 v0, v2;
	v4 =	vadd.s32 v4, v6;
	s21 =	simm.s32 $0x8030;
	v8 =	vld [tilespmem:s20+$0x0];
	v0 =	vor.u32 v12, v11  }
0x6e: {  	s22 =	simm.s32 $0x20;
	v6 =	vld [tilespmem:s21+$0x0];
	v5 =	vadd.s32 v5, v12;
	v9 =	vor.u32 v1, v13;
	v7 =	vadd.s32 v7, v0  }
.LBB2_6:
0x6f: {  	s22 =	sadd.s32 $0x20, s22  }
0x70: {  	v0 =	vld [tilespmem:s21+$0xFFFFFFF0];
	s20 =	sadd.s32 $0x20, s20;
	v2 =	vadd.s32 v2, v1;
	v4 =	vadd.s32 v4, v9;
	v1 =	vmov v3;
	p0 =	slt.u32 s22, $0x3FE0  }
.Ltmp2:
0x71: {  	v3 =	vld [tilespmem:s20+$0xFFFFFFF0];
	(pc) =	sbr.rel @p0 .LBB2_6-.Ltmp2, $4  }
0x72: {  	_ = 	snop  }
0x73: {  	s21 =	sadd.s32 $0x20, s21  }
0x74: {  	v5 =	vadd.s32 v5, v8;
	v10 =	vor.u32 v8, v6;
	v6 =	vld [tilespmem:s21+$0x0]  }
0x75: {  	v8 =	vld [tilespmem:s20+$0x0];
	v9 =	vor.u32 v1, v0;
	v7 =	vadd.s32 v7, v10  }
0x76: {  	s20 =	rddreg [dreg:$0xa]  }
0x77: {  	v10 =	vld [tilespmem:s21+$0xFFFFFFF0];
	[tilespmem:s1], [sflag:$0x1] =	stream.linear.gather [hbm4b:s20+s1], $0x4000, $0x38  }
0x78: {  	s22 =	rddreg [dreg:$0xb]  }
0x79: {  	[tilespmem:s11], [sflag:$0x3] =	stream.linear.gather [hbm4b:s22+s1], $0x4000, $0x38;
	[tilespmem:$0x10100] =	vst v63  }
0x7a: {  	_ =	swait.ge [sflag:s16], $0x4000  }
0x7b: {  	[sflag:s16] =	ssyncset.done $0x0  }
0x7c: {  	[sflag:s16] =	ssyncadd.s32 $0xFFFFC000  }
0x7d: {  	_ =	swait.ge [sflag:s17], $0x4000  }
0x7e: {  	[sflag:s17] =	ssyncset.done $0x0  }
0x7f: {  	s21 =	simm.s32 $0x4010;
	[sflag:s17] =	ssyncadd.s32 $0xFFFFC000  }
0x80: {  	s22 =	simm.s32 $0xC010;
	v0 =	vld [tilespmem:s21+$0xFFFFFFF0]  }
0x81: {  	v11 =	vld [tilespmem:s22+$0x0]  }
0x82: {  	v12 =	vld [tilespmem:s21+$0x0]  }
0x83: {  	v13 =	vld [tilespmem:s22+$0xFFFFFFF0]  }
0x84: {  	v1 =	vadd.s32 v2, v1;
	s20 =	simm.s32 $0x4030;
	v2 =	vor.u32 v8, v6  }
0x85: {  	v7 =	vadd.s32 v7, v2;
	v2 =	vld [tilespmem:s20+$0xFFFFFFF0]  }
0x86: {  	v4 =	vadd.s32 v4, v9;
	v5 =	vadd.s32 v5, v8;
	v6 =	vor.u32 v3, v10  }
0x87: {  	v3 =	vadd.s32 v1, v3;
	v4 =	vadd.s32 v4, v6;
	s21 =	simm.s32 $0xC030;
	v8 =	vld [tilespmem:s20+$0x0];
	v1 =	vor.u32 v12, v11  }
0x88: {  	s22 =	simm.s32 $0x20;
	v6 =	vld [tilespmem:s21+$0x0];
	v5 =	vadd.s32 v5, v12;
	v9 =	vor.u32 v0, v13;
	v7 =	vadd.s32 v7, v1  }
.LBB2_8:
0x89: {  	s22 =	sadd.s32 $0x20, s22  }
0x8a: {  	v1 =	vld [tilespmem:s21+$0xFFFFFFF0];
	s20 =	sadd.s32 $0x20, s20;
	v3 =	vadd.s32 v3, v0;
	v4 =	vadd.s32 v4, v9;
	v0 =	vmov v2;
	p0 =	slt.u32 s22, $0x3FE0  }
.Ltmp3:
0x8b: {  	v2 =	vld [tilespmem:s20+$0xFFFFFFF0];
	(pc) =	sbr.rel @p0 .LBB2_8-.Ltmp3, $4  }
0x8c: {  	_ = 	snop  }
0x8d: {  	s21 =	sadd.s32 $0x20, s21  }
0x8e: {  	v5 =	vadd.s32 v5, v8;
	v10 =	vor.u32 v8, v6;
	v6 =	vld [tilespmem:s21+$0x0]  }
0x8f: {  	v8 =	vld [tilespmem:s20+$0x0];
	v9 =	vor.u32 v0, v1;
	v7 =	vadd.s32 v7, v10  }
0x90: {  	s20 =	rddreg [dreg:$0xc]  }
0x91: {  	v10 =	vld [tilespmem:s21+$0xFFFFFFF0];
	[tilespmem:s12], [sflag:$0x2] =	stream.linear.gather [hbm4b:s20+s1], $0x4000, $0x38  }
0x92: {  	s22 =	rddreg [dreg:$0xd]  }
0x93: {  	[tilespmem:s13], [sflag:$0x4] =	stream.linear.gather [hbm4b:s22+s1], $0x4000, $0x38;
	[tilespmem:$0x10100] =	vst v63  }
0x94: {  	_ =	swait.ge [sflag:s14], $0x4000  }
0x95: {  	[sflag:s14] =	ssyncset.done $0x0  }
0x96: {  	[sflag:s14] =	ssyncadd.s32 $0xFFFFC000  }
0x97: {  	_ =	swait.ge [sflag:s15], $0x4000  }
0x98: {  	[sflag:s15] =	ssyncset.done $0x0  }
0x99: {  	s21 =	simm.s32 $0x10;
	[sflag:s15] =	ssyncadd.s32 $0xFFFFC000  }
0x9a: {  	s22 =	simm.s32 $0x8010;
	v1 =	vld [tilespmem:s21+$0xFFFFFFF0]  }
0x9b: {  	v11 =	vld [tilespmem:s22+$0x0]  }
0x9c: {  	v12 =	vld [tilespmem:s21+$0x0]  }
0x9d: {  	v13 =	vld [tilespmem:s22+$0xFFFFFFF0]  }
0x9e: {  	v0 =	vadd.s32 v3, v0;
	s20 =	simm.s32 $0x30;
	v3 =	vor.u32 v8, v6  }
0x9f: {  	v7 =	vadd.s32 v7, v3;
	v3 =	vld [tilespmem:s20+$0xFFFFFFF0]  }
0xa0: {  	v4 =	vadd.s32 v4, v9;
	v5 =	vadd.s32 v5, v8;
	v6 =	vor.u32 v2, v10  }
0xa1: {  	v2 =	vadd.s32 v0, v2;
	v4 =	vadd.s32 v4, v6;
	s21 =	simm.s32 $0x8030;
	v8 =	vld [tilespmem:s20+$0x0];
	v0 =	vor.u32 v12, v11  }
0xa2: {  	s22 =	simm.s32 $0x20;
	v6 =	vld [tilespmem:s21+$0x0];
	v5 =	vadd.s32 v5, v12;
	v9 =	vor.u32 v1, v13;
	v7 =	vadd.s32 v7, v0  }
.LBB2_10:
0xa3: {  	s22 =	sadd.s32 $0x20, s22  }
0xa4: {  	v0 =	vld [tilespmem:s21+$0xFFFFFFF0];
	s20 =	sadd.s32 $0x20, s20;
	v2 =	vadd.s32 v2, v1;
	v4 =	vadd.s32 v4, v9;
	v1 =	vmov v3;
	p0 =	slt.u32 s22, $0x3FE0  }
.Ltmp4:
0xa5: {  	v3 =	vld [tilespmem:s20+$0xFFFFFFF0];
	(pc) =	sbr.rel @p0 .LBB2_10-.Ltmp4, $4  }
0xa6: {  	_ = 	snop  }
0xa7: {  	s21 =	sadd.s32 $0x20, s21  }
0xa8: {  	v5 =	vadd.s32 v5, v8;
	v10 =	vor.u32 v8, v6;
	v6 =	vld [tilespmem:s21+$0x0]  }
0xa9: {  	v8 =	vld [tilespmem:s20+$0x0];
	v9 =	vor.u32 v1, v0;
	v7 =	vadd.s32 v7, v10  }
0xaa: {  	s20 =	rddreg [dreg:$0xe]  }
0xab: {  	v10 =	vld [tilespmem:s21+$0xFFFFFFF0];
	[tilespmem:s1], [sflag:$0x1] =	stream.linear.gather [hbm4b:s20+s1], $0x4000, $0x38  }
0xac: {  	s22 =	rddreg [dreg:$0xf]  }
0xad: {  	[tilespmem:s11], [sflag:$0x3] =	stream.linear.gather [hbm4b:s22+s1], $0x4000, $0x38;
	[tilespmem:$0x10100] =	vst v63  }
0xae: {  	_ =	swait.ge [sflag:s16], $0x4000  }
0xaf: {  	[sflag:s16] =	ssyncset.done $0x0  }
0xb0: {  	[sflag:s16] =	ssyncadd.s32 $0xFFFFC000  }
0xb1: {  	_ =	swait.ge [sflag:s17], $0x4000  }
0xb2: {  	[sflag:s17] =	ssyncset.done $0x0  }
0xb3: {  	s21 =	simm.s32 $0x4010;
	[sflag:s17] =	ssyncadd.s32 $0xFFFFC000  }
0xb4: {  	s22 =	simm.s32 $0xC010;
	v0 =	vld [tilespmem:s21+$0xFFFFFFF0]  }
0xb5: {  	v11 =	vld [tilespmem:s22+$0x0]  }
0xb6: {  	v12 =	vld [tilespmem:s21+$0x0]  }
0xb7: {  	v13 =	vld [tilespmem:s22+$0xFFFFFFF0]  }
0xb8: {  	v1 =	vadd.s32 v2, v1;
	s20 =	simm.s32 $0x4030;
	v2 =	vor.u32 v8, v6  }
0xb9: {  	v7 =	vadd.s32 v7, v2;
	v2 =	vld [tilespmem:s20+$0xFFFFFFF0]  }
0xba: {  	v4 =	vadd.s32 v4, v9;
	v5 =	vadd.s32 v5, v8;
	v6 =	vor.u32 v3, v10  }
0xbb: {  	v3 =	vadd.s32 v1, v3;
	v4 =	vadd.s32 v4, v6;
	s21 =	simm.s32 $0xC030;
	v8 =	vld [tilespmem:s20+$0x0];
	v1 =	vor.u32 v12, v11  }
0xbc: {  	s22 =	simm.s32 $0x20;
	v6 =	vld [tilespmem:s21+$0x0];
	v5 =	vadd.s32 v5, v12;
	v9 =	vor.u32 v0, v13;
	v7 =	vadd.s32 v7, v1  }
.LBB2_12:
0xbd: {  	s22 =	sadd.s32 $0x20, s22  }
0xbe: {  	v1 =	vld [tilespmem:s21+$0xFFFFFFF0];
	s20 =	sadd.s32 $0x20, s20;
	v3 =	vadd.s32 v3, v0;
	v4 =	vadd.s32 v4, v9;
	v0 =	vmov v2;
	p0 =	slt.u32 s22, $0x3FE0  }
.Ltmp5:
0xbf: {  	v2 =	vld [tilespmem:s20+$0xFFFFFFF0];
	(pc) =	sbr.rel @p0 .LBB2_12-.Ltmp5, $4  }
0xc0: {  	_ = 	snop  }
0xc1: {  	s21 =	sadd.s32 $0x20, s21  }
0xc2: {  	v5 =	vadd.s32 v5, v8;
	v10 =	vor.u32 v8, v6;
	v6 =	vld [tilespmem:s21+$0x0]  }
0xc3: {  	v8 =	vld [tilespmem:s20+$0x0];
	v9 =	vor.u32 v0, v1;
	v7 =	vadd.s32 v7, v10  }
0xc4: {  	s20 =	rddreg [dreg:$0x10]  }
0xc5: {  	v10 =	vld [tilespmem:s21+$0xFFFFFFF0];
	[tilespmem:s12], [sflag:$0x2] =	stream.linear.gather [hbm4b:s20+s1], $0x4000, $0x38  }
0xc6: {  	s22 =	rddreg [dreg:$0x11]  }
0xc7: {  	[tilespmem:s13], [sflag:$0x4] =	stream.linear.gather [hbm4b:s22+s1], $0x4000, $0x38;
	[tilespmem:$0x10100] =	vst v63  }
0xc8: {  	_ =	swait.ge [sflag:s14], $0x4000  }
0xc9: {  	[sflag:s14] =	ssyncset.done $0x0  }
0xca: {  	[sflag:s14] =	ssyncadd.s32 $0xFFFFC000  }
0xcb: {  	_ =	swait.ge [sflag:s15], $0x4000  }
0xcc: {  	[sflag:s15] =	ssyncset.done $0x0  }
0xcd: {  	s21 =	simm.s32 $0x10;
	[sflag:s15] =	ssyncadd.s32 $0xFFFFC000  }
0xce: {  	s22 =	simm.s32 $0x8010;
	v1 =	vld [tilespmem:s21+$0xFFFFFFF0]  }
0xcf: {  	v11 =	vld [tilespmem:s22+$0x0]  }
0xd0: {  	v12 =	vld [tilespmem:s21+$0x0]  }
0xd1: {  	v13 =	vld [tilespmem:s22+$0xFFFFFFF0]  }
0xd2: {  	v0 =	vadd.s32 v3, v0;
	s20 =	simm.s32 $0x30;
	v3 =	vor.u32 v8, v6  }
0xd3: {  	v7 =	vadd.s32 v7, v3;
	v3 =	vld [tilespmem:s20+$0xFFFFFFF0]  }
0xd4: {  	v4 =	vadd.s32 v4, v9;
	v5 =	vadd.s32 v5, v8;
	v6 =	vor.u32 v2, v10  }
0xd5: {  	v2 =	vadd.s32 v0, v2;
	v4 =	vadd.s32 v4, v6;
	s21 =	simm.s32 $0x8030;
	v8 =	vld [tilespmem:s20+$0x0];
	v0 =	vor.u32 v12, v11  }
0xd6: {  	s22 =	simm.s32 $0x20;
	v6 =	vld [tilespmem:s21+$0x0];
	v5 =	vadd.s32 v5, v12;
	v9 =	vor.u32 v1, v13;
	v7 =	vadd.s32 v7, v0  }
.LBB2_14:
0xd7: {  	s22 =	sadd.s32 $0x20, s22  }
0xd8: {  	v0 =	vld [tilespmem:s21+$0xFFFFFFF0];
	s20 =	sadd.s32 $0x20, s20;
	v2 =	vadd.s32 v2, v1;
	v4 =	vadd.s32 v4, v9;
	v1 =	vmov v3;
	p0 =	slt.u32 s22, $0x3FE0  }
.Ltmp6:
0xd9: {  	v3 =	vld [tilespmem:s20+$0xFFFFFFF0];
	(pc) =	sbr.rel @p0 .LBB2_14-.Ltmp6, $4  }
0xda: {  	_ = 	snop  }
0xdb: {  	s21 =	sadd.s32 $0x20, s21  }
0xdc: {  	v5 =	vadd.s32 v5, v8;
	v10 =	vor.u32 v8, v6;
	v6 =	vld [tilespmem:s21+$0x0]  }
0xdd: {  	v8 =	vld [tilespmem:s20+$0x0];
	v9 =	vor.u32 v1, v0;
	v7 =	vadd.s32 v7, v10  }
0xde: {  	s20 =	rddreg [dreg:$0x12]  }
0xdf: {  	v10 =	vld [tilespmem:s21+$0xFFFFFFF0];
	[tilespmem:s1], [sflag:$0x1] =	stream.linear.gather [hbm4b:s20+s1], $0x4000, $0x38  }
0xe0: {  	s22 =	rddreg [dreg:$0x13]  }
0xe1: {  	[tilespmem:s11], [sflag:$0x3] =	stream.linear.gather [hbm4b:s22+s1], $0x4000, $0x38;
	[tilespmem:$0x10100] =	vst v63  }
0xe2: {  	_ =	swait.ge [sflag:s16], $0x4000  }
0xe3: {  	[sflag:s16] =	ssyncset.done $0x0  }
0xe4: {  	[sflag:s16] =	ssyncadd.s32 $0xFFFFC000  }
0xe5: {  	_ =	swait.ge [sflag:s17], $0x4000  }
0xe6: {  	[sflag:s17] =	ssyncset.done $0x0  }
0xe7: {  	s21 =	simm.s32 $0x4010;
	[sflag:s17] =	ssyncadd.s32 $0xFFFFC000  }
0xe8: {  	s22 =	simm.s32 $0xC010;
	v0 =	vld [tilespmem:s21+$0xFFFFFFF0]  }
0xe9: {  	v11 =	vld [tilespmem:s22+$0x0]  }
0xea: {  	v12 =	vld [tilespmem:s21+$0x0]  }
0xeb: {  	v13 =	vld [tilespmem:s22+$0xFFFFFFF0]  }
0xec: {  	v1 =	vadd.s32 v2, v1;
	s20 =	simm.s32 $0x4030;
	v2 =	vor.u32 v8, v6  }
0xed: {  	v7 =	vadd.s32 v7, v2;
	v2 =	vld [tilespmem:s20+$0xFFFFFFF0]  }
0xee: {  	v4 =	vadd.s32 v4, v9;
	v5 =	vadd.s32 v5, v8;
	v6 =	vor.u32 v3, v10  }
0xef: {  	v3 =	vadd.s32 v1, v3;
	v4 =	vadd.s32 v4, v6;
	s21 =	simm.s32 $0xC030;
	v8 =	vld [tilespmem:s20+$0x0];
	v1 =	vor.u32 v12, v11  }
0xf0: {  	s22 =	simm.s32 $0x20;
	v6 =	vld [tilespmem:s21+$0x0];
	v5 =	vadd.s32 v5, v12;
	v9 =	vor.u32 v0, v13;
	v7 =	vadd.s32 v7, v1  }
.LBB2_16:
0xf1: {  	s22 =	sadd.s32 $0x20, s22  }
0xf2: {  	v1 =	vld [tilespmem:s21+$0xFFFFFFF0];
	s20 =	sadd.s32 $0x20, s20;
	v3 =	vadd.s32 v3, v0;
	v4 =	vadd.s32 v4, v9;
	v0 =	vmov v2;
	p0 =	slt.u32 s22, $0x3FE0  }
.Ltmp7:
0xf3: {  	v2 =	vld [tilespmem:s20+$0xFFFFFFF0];
	(pc) =	sbr.rel @p0 .LBB2_16-.Ltmp7, $4  }
0xf4: {  	_ = 	snop  }
0xf5: {  	s21 =	sadd.s32 $0x20, s21  }
0xf6: {  	v5 =	vadd.s32 v5, v8;
	v10 =	vor.u32 v8, v6;
	v6 =	vld [tilespmem:s21+$0x0]  }
0xf7: {  	v8 =	vld [tilespmem:s20+$0x0];
	v9 =	vor.u32 v0, v1;
	v7 =	vadd.s32 v7, v10  }
0xf8: {  	s20 =	rddreg [dreg:$0x14]  }
0xf9: {  	v10 =	vld [tilespmem:s21+$0xFFFFFFF0];
	[tilespmem:s12], [sflag:$0x2] =	stream.linear.gather [hbm4b:s20+s1], $0x4000, $0x38  }
0xfa: {  	s22 =	rddreg [dreg:$0x15]  }
0xfb: {  	[tilespmem:s13], [sflag:$0x4] =	stream.linear.gather [hbm4b:s22+s1], $0x4000, $0x38;
	[tilespmem:$0x10100] =	vst v63  }
0xfc: {  	_ =	swait.ge [sflag:s14], $0x4000  }
0xfd: {  	[sflag:s14] =	ssyncset.done $0x0  }
0xfe: {  	[sflag:s14] =	ssyncadd.s32 $0xFFFFC000  }
0xff: {  	_ =	swait.ge [sflag:s15], $0x4000  }
0x100: {  	[sflag:s15] =	ssyncset.done $0x0  }
0x101: {  	s21 =	simm.s32 $0x10;
	[sflag:s15] =	ssyncadd.s32 $0xFFFFC000  }
0x102: {  	s22 =	simm.s32 $0x8010;
	v1 =	vld [tilespmem:s21+$0xFFFFFFF0]  }
0x103: {  	v11 =	vld [tilespmem:s22+$0x0]  }
0x104: {  	v12 =	vld [tilespmem:s21+$0x0]  }
0x105: {  	v13 =	vld [tilespmem:s22+$0xFFFFFFF0]  }
0x106: {  	v0 =	vadd.s32 v3, v0;
	s20 =	simm.s32 $0x30;
	v3 =	vor.u32 v8, v6  }
0x107: {  	v7 =	vadd.s32 v7, v3;
	v3 =	vld [tilespmem:s20+$0xFFFFFFF0]  }
0x108: {  	v4 =	vadd.s32 v4, v9;
	v5 =	vadd.s32 v5, v8;
	v6 =	vor.u32 v2, v10  }
0x109: {  	v2 =	vadd.s32 v0, v2;
	v4 =	vadd.s32 v4, v6;
	s21 =	simm.s32 $0x8030;
	v8 =	vld [tilespmem:s20+$0x0];
	v0 =	vor.u32 v12, v11  }
0x10a: {  	s22 =	simm.s32 $0x20;
	v6 =	vld [tilespmem:s21+$0x0];
	v5 =	vadd.s32 v5, v12;
	v9 =	vor.u32 v1, v13;
	v7 =	vadd.s32 v7, v0  }
.LBB2_18:
0x10b: {  	s22 =	sadd.s32 $0x20, s22  }
0x10c: {  	v0 =	vld [tilespmem:s21+$0xFFFFFFF0];
	s20 =	sadd.s32 $0x20, s20;
	v2 =	vadd.s32 v2, v1;
	v4 =	vadd.s32 v4, v9;
	v1 =	vmov v3;
	p0 =	slt.u32 s22, $0x3FE0  }
.Ltmp8:
0x10d: {  	v3 =	vld [tilespmem:s20+$0xFFFFFFF0];
	(pc) =	sbr.rel @p0 .LBB2_18-.Ltmp8, $4  }
0x10e: {  	_ = 	snop  }
0x10f: {  	s21 =	sadd.s32 $0x20, s21  }
0x110: {  	v5 =	vadd.s32 v5, v8;
	v10 =	vor.u32 v8, v6;
	v6 =	vld [tilespmem:s21+$0x0]  }
0x111: {  	v8 =	vld [tilespmem:s20+$0x0];
	v9 =	vor.u32 v1, v0;
	v7 =	vadd.s32 v7, v10  }
0x112: {  	s20 =	rddreg [dreg:$0x16]  }
0x113: {  	v10 =	vld [tilespmem:s21+$0xFFFFFFF0];
	[tilespmem:s1], [sflag:$0x1] =	stream.linear.gather [hbm4b:s20+s1], $0x4000, $0x38  }
0x114: {  	s22 =	rddreg [dreg:$0x17]  }
0x115: {  	[tilespmem:s11], [sflag:$0x3] =	stream.linear.gather [hbm4b:s22+s1], $0x4000, $0x38;
	[tilespmem:$0x10100] =	vst v63  }
0x116: {  	_ =	swait.ge [sflag:s16], $0x4000  }
0x117: {  	[sflag:s16] =	ssyncset.done $0x0  }
0x118: {  	[sflag:s16] =	ssyncadd.s32 $0xFFFFC000  }
0x119: {  	_ =	swait.ge [sflag:s17], $0x4000  }
0x11a: {  	[sflag:s17] =	ssyncset.done $0x0  }
0x11b: {  	s21 =	simm.s32 $0x4010;
	[sflag:s17] =	ssyncadd.s32 $0xFFFFC000  }
0x11c: {  	s22 =	simm.s32 $0xC010;
	v0 =	vld [tilespmem:s21+$0xFFFFFFF0]  }
0x11d: {  	v11 =	vld [tilespmem:s22+$0x0]  }
0x11e: {  	v12 =	vld [tilespmem:s21+$0x0]  }
0x11f: {  	v13 =	vld [tilespmem:s22+$0xFFFFFFF0]  }
0x120: {  	v1 =	vadd.s32 v2, v1;
	s20 =	simm.s32 $0x4030;
	v2 =	vor.u32 v8, v6  }
0x121: {  	v7 =	vadd.s32 v7, v2;
	v2 =	vld [tilespmem:s20+$0xFFFFFFF0]  }
0x122: {  	v4 =	vadd.s32 v4, v9;
	v5 =	vadd.s32 v5, v8;
	v6 =	vor.u32 v3, v10  }
0x123: {  	v3 =	vadd.s32 v1, v3;
	v4 =	vadd.s32 v4, v6;
	s21 =	simm.s32 $0xC030;
	v8 =	vld [tilespmem:s20+$0x0];
	v1 =	vor.u32 v12, v11  }
0x124: {  	s22 =	simm.s32 $0x20;
	v6 =	vld [tilespmem:s21+$0x0];
	v5 =	vadd.s32 v5, v12;
	v9 =	vor.u32 v0, v13;
	v7 =	vadd.s32 v7, v1  }
.LBB2_20:
0x125: {  	s22 =	sadd.s32 $0x20, s22  }
0x126: {  	v1 =	vld [tilespmem:s21+$0xFFFFFFF0];
	s20 =	sadd.s32 $0x20, s20;
	v3 =	vadd.s32 v3, v0;
	v4 =	vadd.s32 v4, v9;
	v0 =	vmov v2;
	p0 =	slt.u32 s22, $0x3FE0  }
.Ltmp9:
0x127: {  	v2 =	vld [tilespmem:s20+$0xFFFFFFF0];
	(pc) =	sbr.rel @p0 .LBB2_20-.Ltmp9, $4  }
0x128: {  	_ = 	snop  }
0x129: {  	s21 =	sadd.s32 $0x20, s21  }
0x12a: {  	v5 =	vadd.s32 v5, v8;
	v10 =	vor.u32 v8, v6;
	v6 =	vld [tilespmem:s21+$0x0]  }
0x12b: {  	v8 =	vld [tilespmem:s20+$0x0];
	v9 =	vor.u32 v0, v1;
	v7 =	vadd.s32 v7, v10  }
0x12c: {  	s20 =	rddreg [dreg:$0x18]  }
0x12d: {  	v10 =	vld [tilespmem:s21+$0xFFFFFFF0];
	[tilespmem:s12], [sflag:$0x2] =	stream.linear.gather [hbm4b:s20+s1], $0x4000, $0x38  }
0x12e: {  	_ = 	snop  }
0x12f: {  	[tilespmem:s13], [sflag:$0x4] =	stream.linear.gather [hbm4b:s23+s1], $0x4000, $0x38;
	[tilespmem:$0x10100] =	vst v63  }
0x130: {  	_ =	swait.ge [sflag:s14], $0x4000  }
0x131: {  	[sflag:s14] =	ssyncset.done $0x0  }
0x132: {  	[sflag:s14] =	ssyncadd.s32 $0xFFFFC000  }
0x133: {  	_ =	swait.ge [sflag:s15], $0x4000  }
0x134: {  	[sflag:s15] =	ssyncset.done $0x0  }
0x135: {  	s21 =	simm.s32 $0x10;
	[sflag:s15] =	ssyncadd.s32 $0xFFFFC000  }
0x136: {  	s22 =	simm.s32 $0x8010;
	v1 =	vld [tilespmem:s21+$0xFFFFFFF0]  }
0x137: {  	v11 =	vld [tilespmem:s22+$0x0]  }
0x138: {  	v12 =	vld [tilespmem:s21+$0x0]  }
0x139: {  	v13 =	vld [tilespmem:s22+$0xFFFFFFF0]  }
0x13a: {  	v0 =	vadd.s32 v3, v0;
	s20 =	simm.s32 $0x30;
	v3 =	vor.u32 v8, v6  }
0x13b: {  	v7 =	vadd.s32 v7, v3;
	v3 =	vld [tilespmem:s20+$0xFFFFFFF0]  }
0x13c: {  	v4 =	vadd.s32 v4, v9;
	v5 =	vadd.s32 v5, v8;
	v6 =	vor.u32 v2, v10  }
0x13d: {  	v2 =	vadd.s32 v0, v2;
	v4 =	vadd.s32 v4, v6;
	s21 =	simm.s32 $0x8030;
	v8 =	vld [tilespmem:s20+$0x0];
	v0 =	vor.u32 v12, v11  }
0x13e: {  	s22 =	simm.s32 $0x20;
	v6 =	vld [tilespmem:s21+$0x0];
	v5 =	vadd.s32 v5, v12;
	v9 =	vor.u32 v1, v13;
	v7 =	vadd.s32 v7, v0  }
.LBB2_22:
0x13f: {  	s22 =	sadd.s32 $0x20, s22  }
0x140: {  	v0 =	vld [tilespmem:s21+$0xFFFFFFF0];
	s20 =	sadd.s32 $0x20, s20;
	v2 =	vadd.s32 v2, v1;
	v4 =	vadd.s32 v4, v9;
	v1 =	vmov v3;
	p0 =	slt.u32 s22, $0x3FE0  }
.Ltmp10:
0x141: {  	v3 =	vld [tilespmem:s20+$0xFFFFFFF0];
	(pc) =	sbr.rel @p0 .LBB2_22-.Ltmp10, $4  }
0x142: {  	_ = 	snop  }
0x143: {  	s21 =	sadd.s32 $0x20, s21  }
0x144: {  	v5 =	vadd.s32 v5, v8;
	v10 =	vor.u32 v8, v6;
	v6 =	vld [tilespmem:s21+$0x0]  }
0x145: {  	v8 =	vld [tilespmem:s20+$0x0];
	v9 =	vor.u32 v1, v0;
	v7 =	vadd.s32 v7, v10  }
0x146: {  	v10 =	vld [tilespmem:s21+$0xFFFFFFF0];
	[tilespmem:s1], [sflag:$0x1] =	stream.linear.gather [hbm4b:s24+s1], $0x4000, $0x38  }
0x147: {  	_ = 	snop  }
0x148: {  	[tilespmem:s11], [sflag:$0x3] =	stream.linear.gather [hbm4b:s25+s1], $0x4000, $0x38;
	[tilespmem:$0x10100] =	vst v63  }
0x149: {  	_ =	swait.ge [sflag:s16], $0x4000  }
0x14a: {  	[sflag:s16] =	ssyncset.done $0x0  }
0x14b: {  	[sflag:s16] =	ssyncadd.s32 $0xFFFFC000  }
0x14c: {  	_ =	swait.ge [sflag:s17], $0x4000  }
0x14d: {  	[sflag:s17] =	ssyncset.done $0x0  }
0x14e: {  	s20 =	simm.s32 $0x4010;
	[sflag:s17] =	ssyncadd.s32 $0xFFFFC000  }
0x14f: {  	s22 =	simm.s32 $0xC010;
	v0 =	vld [tilespmem:s20+$0xFFFFFFF0]  }
0x150: {  	v11 =	vld [tilespmem:s22+$0x0]  }
0x151: {  	v12 =	vld [tilespmem:s20+$0x0]  }
0x152: {  	v13 =	vld [tilespmem:s22+$0xFFFFFFF0]  }
0x153: {  	v1 =	vadd.s32 v2, v1;
	v2 =	vor.u32 v8, v6;
	s20 =	simm.s32 $0x4030  }
0x154: {  	v7 =	vadd.s32 v7, v2;
	v2 =	vld [tilespmem:s20+$0xFFFFFFF0]  }
0x155: {  	v4 =	vadd.s32 v4, v9;
	s21 =	simm.s32 $0xC030;
	v5 =	vadd.s32 v5, v8;
	v6 =	vor.u32 v3, v10  }
0x156: {  	v3 =	vadd.s32 v1, v3;
	v4 =	vadd.s32 v4, v6;
	v6 =	vld [tilespmem:s21+$0x0];
	v1 =	vor.u32 v12, v11  }
0x157: {  	s22 =	simm.s32 $0x20;
	v8 =	vld [tilespmem:s20+$0x0];
	v5 =	vadd.s32 v5, v12;
	v9 =	vor.u32 v0, v13;
	v7 =	vadd.s32 v7, v1  }
.LBB2_24:
0x158: {  	s22 =	sadd.s32 $0x20, s22  }
0x159: {  	v1 =	vld [tilespmem:s21+$0xFFFFFFF0];
	s20 =	sadd.s32 $0x20, s20;
	v3 =	vadd.s32 v3, v0;
	v4 =	vadd.s32 v4, v9;
	v0 =	vmov v2;
	p0 =	slt.u32 s22, $0x3FE0  }
.Ltmp11:
0x15a: {  	v2 =	vld [tilespmem:s20+$0xFFFFFFF0];
	(pc) =	sbr.rel @p0 .LBB2_24-.Ltmp11, $4  }
0x15b: {  	_ = 	snop  }
0x15c: {  	s21 =	sadd.s32 $0x20, s21  }
0x15d: {  	v5 =	vadd.s32 v5, v8;
	v10 =	vor.u32 v8, v6;
	v6 =	vld [tilespmem:s21+$0x0]  }
0x15e: {  	v8 =	vld [tilespmem:s20+$0x0];
	v9 =	vor.u32 v0, v1;
	v7 =	vadd.s32 v7, v10  }
0x15f: {  	v10 =	vld [tilespmem:s21+$0xFFFFFFF0];
	[tilespmem:s12], [sflag:$0x2] =	stream.linear.gather [hbm4b:s26+s1], $0x4000, $0x38  }
0x160: {  	_ = 	snop  }
0x161: {  	[tilespmem:s13], [sflag:$0x4] =	stream.linear.gather [hbm4b:s28+s1], $0x4000, $0x38;
	[tilespmem:$0x10100] =	vst v63  }
0x162: {  	_ =	swait.ge [sflag:s14], $0x4000  }
0x163: {  	[sflag:s14] =	ssyncset.done $0x0  }
0x164: {  	[sflag:s14] =	ssyncadd.s32 $0xFFFFC000  }
0x165: {  	_ =	swait.ge [sflag:s15], $0x4000  }
0x166: {  	[sflag:s15] =	ssyncset.done $0x0  }
0x167: {  	s20 =	simm.s32 $0x10;
	[sflag:s15] =	ssyncadd.s32 $0xFFFFC000  }
0x168: {  	s22 =	simm.s32 $0x8010;
	v1 =	vld [tilespmem:s20+$0xFFFFFFF0]  }
0x169: {  	v11 =	vld [tilespmem:s22+$0x0]  }
0x16a: {  	v12 =	vld [tilespmem:s20+$0x0]  }
0x16b: {  	v13 =	vld [tilespmem:s22+$0xFFFFFFF0]  }
0x16c: {  	v0 =	vadd.s32 v3, v0;
	v3 =	vor.u32 v8, v6;
	s20 =	simm.s32 $0x30  }
0x16d: {  	v7 =	vadd.s32 v7, v3;
	v3 =	vld [tilespmem:s20+$0xFFFFFFF0]  }
0x16e: {  	v4 =	vadd.s32 v4, v9;
	s21 =	simm.s32 $0x8030;
	v5 =	vadd.s32 v5, v8;
	v6 =	vor.u32 v2, v10  }
0x16f: {  	v2 =	vadd.s32 v0, v2;
	v4 =	vadd.s32 v4, v6;
	v6 =	vld [tilespmem:s21+$0x0];
	v0 =	vor.u32 v12, v11  }
0x170: {  	s22 =	simm.s32 $0x20;
	v8 =	vld [tilespmem:s20+$0x0];
	v5 =	vadd.s32 v5, v12;
	v9 =	vor.u32 v1, v13;
	v7 =	vadd.s32 v7, v0  }
.LBB2_26:
0x171: {  	s22 =	sadd.s32 $0x20, s22  }
0x172: {  	v0 =	vld [tilespmem:s21+$0xFFFFFFF0];
	s20 =	sadd.s32 $0x20, s20;
	v2 =	vadd.s32 v2, v1;
	v4 =	vadd.s32 v4, v9;
	v1 =	vmov v3;
	p0 =	slt.u32 s22, $0x3FE0  }
.Ltmp12:
0x173: {  	v3 =	vld [tilespmem:s20+$0xFFFFFFF0];
	(pc) =	sbr.rel @p0 .LBB2_26-.Ltmp12, $4  }
0x174: {  	_ = 	snop  }
0x175: {  	s21 =	sadd.s32 $0x20, s21  }
0x176: {  	v5 =	vadd.s32 v5, v8;
	v10 =	vor.u32 v8, v6;
	v6 =	vld [tilespmem:s21+$0x0]  }
0x177: {  	v8 =	vld [tilespmem:s20+$0x0];
	v9 =	vor.u32 v1, v0;
	v7 =	vadd.s32 v7, v10  }
0x178: {  	v10 =	vld [tilespmem:s21+$0xFFFFFFF0];
	[tilespmem:s1], [sflag:$0x1] =	stream.linear.gather [hbm4b:s29+s1], $0x4000, $0x38  }
0x179: {  	_ = 	snop  }
0x17a: {  	[tilespmem:s11], [sflag:$0x3] =	stream.linear.gather [hbm4b:s30+s1], $0x4000, $0x38;
	[tilespmem:$0x10100] =	vst v63  }
0x17b: {  	_ =	swait.ge [sflag:s16], $0x4000  }
0x17c: {  	[sflag:s16] =	ssyncset.done $0x0  }
0x17d: {  	[sflag:s16] =	ssyncadd.s32 $0xFFFFC000  }
0x17e: {  	_ =	swait.ge [sflag:s17], $0x4000  }
0x17f: {  	[sflag:s17] =	ssyncset.done $0x0  }
0x180: {  	s20 =	simm.s32 $0x4010;
	[sflag:s17] =	ssyncadd.s32 $0xFFFFC000  }
0x181: {  	s22 =	simm.s32 $0xC010;
	v0 =	vld [tilespmem:s20+$0xFFFFFFF0]  }
0x182: {  	v11 =	vld [tilespmem:s22+$0x0]  }
0x183: {  	v12 =	vld [tilespmem:s20+$0x0]  }
0x184: {  	v13 =	vld [tilespmem:s22+$0xFFFFFFF0]  }
0x185: {  	v1 =	vadd.s32 v2, v1;
	v2 =	vor.u32 v8, v6;
	s20 =	simm.s32 $0x4030  }
0x186: {  	v7 =	vadd.s32 v7, v2;
	v2 =	vld [tilespmem:s20+$0xFFFFFFF0]  }
0x187: {  	v4 =	vadd.s32 v4, v9;
	s21 =	simm.s32 $0xC030;
	v5 =	vadd.s32 v5, v8;
	v6 =	vor.u32 v3, v10  }
0x188: {  	v3 =	vadd.s32 v1, v3;
	v4 =	vadd.s32 v4, v6;
	v6 =	vld [tilespmem:s21+$0x0];
	v1 =	vor.u32 v12, v11  }
0x189: {  	s22 =	simm.s32 $0x20;
	v8 =	vld [tilespmem:s20+$0x0];
	v5 =	vadd.s32 v5, v12;
	v9 =	vor.u32 v0, v13;
	v7 =	vadd.s32 v7, v1  }
.LBB2_28:
0x18a: {  	s22 =	sadd.s32 $0x20, s22  }
0x18b: {  	v1 =	vld [tilespmem:s21+$0xFFFFFFF0];
	s20 =	sadd.s32 $0x20, s20;
	v3 =	vadd.s32 v3, v0;
	v4 =	vadd.s32 v4, v9;
	v0 =	vmov v2;
	p0 =	slt.u32 s22, $0x3FE0  }
.Ltmp13:
0x18c: {  	v2 =	vld [tilespmem:s20+$0xFFFFFFF0];
	(pc) =	sbr.rel @p0 .LBB2_28-.Ltmp13, $4  }
0x18d: {  	_ = 	snop  }
0x18e: {  	s21 =	sadd.s32 $0x20, s21  }
0x18f: {  	v5 =	vadd.s32 v5, v8;
	v10 =	vor.u32 v8, v6;
	v6 =	vld [tilespmem:s21+$0x0]  }
0x190: {  	v8 =	vld [tilespmem:s20+$0x0];
	v9 =	vor.u32 v0, v1;
	v7 =	vadd.s32 v7, v10  }
0x191: {  	v10 =	vld [tilespmem:s21+$0xFFFFFFF0];
	[tilespmem:s12], [sflag:$0x2] =	stream.linear.gather [hbm4b:s31+s1], $0x4000, $0x38  }
0x192: {  	_ = 	snop  }
0x193: {  	[tilespmem:s13], [sflag:$0x4] =	stream.linear.gather [hbm4b:s0+s1], $0x4000, $0x38;
	[tilespmem:$0x10100] =	vst v63  }
0x194: {  	_ =	swait.ge [sflag:s14], $0x4000  }
0x195: {  	[sflag:s14] =	ssyncset.done $0x0  }
0x196: {  	[sflag:s14] =	ssyncadd.s32 $0xFFFFC000  }
0x197: {  	_ =	swait.ge [sflag:s15], $0x4000  }
0x198: {  	[sflag:s15] =	ssyncset.done $0x0  }
0x199: {  	s20 =	simm.s32 $0x10;
	[sflag:s15] =	ssyncadd.s32 $0xFFFFC000  }
0x19a: {  	s22 =	simm.s32 $0x8010;
	v1 =	vld [tilespmem:s20+$0xFFFFFFF0]  }
0x19b: {  	v11 =	vld [tilespmem:s22+$0x0]  }
0x19c: {  	v12 =	vld [tilespmem:s20+$0x0]  }
0x19d: {  	v13 =	vld [tilespmem:s22+$0xFFFFFFF0]  }
0x19e: {  	v0 =	vadd.s32 v3, v0;
	v3 =	vor.u32 v8, v6;
	s20 =	simm.s32 $0x30  }
0x19f: {  	v7 =	vadd.s32 v7, v3;
	v3 =	vld [tilespmem:s20+$0xFFFFFFF0]  }
0x1a0: {  	v4 =	vadd.s32 v4, v9;
	s21 =	simm.s32 $0x8030;
	v5 =	vadd.s32 v5, v8;
	v6 =	vor.u32 v2, v10  }
0x1a1: {  	v2 =	vadd.s32 v0, v2;
	v4 =	vadd.s32 v4, v6;
	v6 =	vld [tilespmem:s21+$0x0];
	v0 =	vor.u32 v12, v11  }
0x1a2: {  	s22 =	simm.s32 $0x20;
	v8 =	vld [tilespmem:s20+$0x0];
	v5 =	vadd.s32 v5, v12;
	v9 =	vor.u32 v1, v13;
	v7 =	vadd.s32 v7, v0  }
.LBB2_30:
0x1a3: {  	s22 =	sadd.s32 $0x20, s22  }
0x1a4: {  	v0 =	vld [tilespmem:s21+$0xFFFFFFF0];
	s20 =	sadd.s32 $0x20, s20;
	v2 =	vadd.s32 v2, v1;
	v4 =	vadd.s32 v4, v9;
	v1 =	vmov v3;
	p0 =	slt.u32 s22, $0x3FE0  }
.Ltmp14:
0x1a5: {  	v3 =	vld [tilespmem:s20+$0xFFFFFFF0];
	(pc) =	sbr.rel @p0 .LBB2_30-.Ltmp14, $4  }
0x1a6: {  	_ = 	snop  }
0x1a7: {  	s21 =	sadd.s32 $0x20, s21  }
0x1a8: {  	v5 =	vadd.s32 v5, v8;
	v10 =	vor.u32 v8, v6;
	v6 =	vld [tilespmem:s21+$0x0]  }
0x1a9: {  	v8 =	vld [tilespmem:s20+$0x0];
	v9 =	vor.u32 v1, v0;
	v7 =	vadd.s32 v7, v10  }
0x1aa: {  	v10 =	vld [tilespmem:s21+$0xFFFFFFF0];
	[tilespmem:s1], [sflag:$0x1] =	stream.linear.gather [hbm4b:s2+s1], $0x4000, $0x38  }
0x1ab: {  	_ = 	snop  }
0x1ac: {  	[tilespmem:s11], [sflag:$0x3] =	stream.linear.gather [hbm4b:s3+s1], $0x4000, $0x38;
	[tilespmem:$0x10100] =	vst v63  }
0x1ad: {  	_ =	swait.ge [sflag:s16], $0x4000  }
0x1ae: {  	[sflag:s16] =	ssyncset.done $0x0  }
0x1af: {  	[sflag:s16] =	ssyncadd.s32 $0xFFFFC000  }
0x1b0: {  	_ =	swait.ge [sflag:s17], $0x4000  }
0x1b1: {  	[sflag:s17] =	ssyncset.done $0x0  }
0x1b2: {  	s20 =	simm.s32 $0x4010;
	[sflag:s17] =	ssyncadd.s32 $0xFFFFC000  }
0x1b3: {  	s22 =	simm.s32 $0xC010;
	v0 =	vld [tilespmem:s20+$0xFFFFFFF0]  }
0x1b4: {  	v11 =	vld [tilespmem:s22+$0x0]  }
0x1b5: {  	v12 =	vld [tilespmem:s20+$0x0]  }
0x1b6: {  	v13 =	vld [tilespmem:s22+$0xFFFFFFF0]  }
0x1b7: {  	v1 =	vadd.s32 v2, v1;
	v2 =	vor.u32 v8, v6;
	s20 =	simm.s32 $0x4030  }
0x1b8: {  	v7 =	vadd.s32 v7, v2;
	v2 =	vld [tilespmem:s20+$0xFFFFFFF0]  }
0x1b9: {  	v4 =	vadd.s32 v4, v9;
	s21 =	simm.s32 $0xC030;
	v5 =	vadd.s32 v5, v8;
	v6 =	vor.u32 v3, v10  }
0x1ba: {  	v3 =	vadd.s32 v1, v3;
	v4 =	vadd.s32 v4, v6;
	v6 =	vld [tilespmem:s21+$0x0];
	v1 =	vor.u32 v12, v11  }
0x1bb: {  	s22 =	simm.s32 $0x20;
	v8 =	vld [tilespmem:s20+$0x0];
	v5 =	vadd.s32 v5, v12;
	v9 =	vor.u32 v0, v13;
	v7 =	vadd.s32 v7, v1  }
.LBB2_32:
0x1bc: {  	s22 =	sadd.s32 $0x20, s22  }
0x1bd: {  	v1 =	vld [tilespmem:s21+$0xFFFFFFF0];
	s20 =	sadd.s32 $0x20, s20;
	v3 =	vadd.s32 v3, v0;
	v4 =	vadd.s32 v4, v9;
	v0 =	vmov v2;
	p0 =	slt.u32 s22, $0x3FE0  }
.Ltmp15:
0x1be: {  	v2 =	vld [tilespmem:s20+$0xFFFFFFF0];
	(pc) =	sbr.rel @p0 .LBB2_32-.Ltmp15, $4  }
0x1bf: {  	_ = 	snop  }
0x1c0: {  	s21 =	sadd.s32 $0x20, s21  }
0x1c1: {  	v5 =	vadd.s32 v5, v8;
	v10 =	vor.u32 v8, v6;
	v6 =	vld [tilespmem:s21+$0x0]  }
0x1c2: {  	v8 =	vld [tilespmem:s20+$0x0];
	v9 =	vor.u32 v0, v1;
	v7 =	vadd.s32 v7, v10  }
0x1c3: {  	v10 =	vld [tilespmem:s21+$0xFFFFFFF0];
	[tilespmem:s12], [sflag:$0x2] =	stream.linear.gather [hbm4b:s6+s1], $0x4000, $0x38  }
0x1c4: {  	_ = 	snop  }
0x1c5: {  	[tilespmem:s13], [sflag:$0x4] =	stream.linear.gather [hbm4b:s7+s1], $0x4000, $0x38;
	[tilespmem:$0x10100] =	vst v63  }
0x1c6: {  	_ =	swait.ge [sflag:s14], $0x4000  }
0x1c7: {  	[sflag:s14] =	ssyncset.done $0x0  }
0x1c8: {  	[sflag:s14] =	ssyncadd.s32 $0xFFFFC000  }
0x1c9: {  	_ =	swait.ge [sflag:s15], $0x4000  }
0x1ca: {  	[sflag:s15] =	ssyncset.done $0x0  }
0x1cb: {  	s20 =	simm.s32 $0x10;
	[sflag:s15] =	ssyncadd.s32 $0xFFFFC000  }
0x1cc: {  	s22 =	simm.s32 $0x8010;
	v1 =	vld [tilespmem:s20+$0xFFFFFFF0]  }
0x1cd: {  	v11 =	vld [tilespmem:s22+$0x0]  }
0x1ce: {  	v12 =	vld [tilespmem:s20+$0x0]  }
0x1cf: {  	v13 =	vld [tilespmem:s22+$0xFFFFFFF0]  }
0x1d0: {  	v3 =	vadd.s32 v3, v0;
	v0 =	vor.u32 v8, v6;
	s20 =	simm.s32 $0x30  }
0x1d1: {  	v7 =	vadd.s32 v7, v0;
	v0 =	vld [tilespmem:s20+$0xFFFFFFF0]  }
0x1d2: {  	v4 =	vadd.s32 v4, v9;
	s21 =	simm.s32 $0x8030;
	v5 =	vadd.s32 v5, v8;
	v6 =	vor.u32 v2, v10  }
0x1d3: {  	v2 =	vadd.s32 v3, v2;
	v3 =	vadd.s32 v4, v6;
	v6 =	vld [tilespmem:s21+$0x0];
	v4 =	vor.u32 v12, v11  }
0x1d4: {  	s22 =	simm.s32 $0x20;
	v8 =	vld [tilespmem:s20+$0x0];
	v5 =	vadd.s32 v5, v12;
	v9 =	vor.u32 v1, v13;
	v7 =	vadd.s32 v7, v4  }
.LBB2_34:
0x1d5: {  	s22 =	sadd.s32 $0x20, s22  }
0x1d6: {  	v4 =	vld [tilespmem:s21+$0xFFFFFFF0];
	s20 =	sadd.s32 $0x20, s20;
	v2 =	vadd.s32 v2, v1;
	v3 =	vadd.s32 v3, v9;
	v1 =	vmov v0;
	p0 =	slt.u32 s22, $0x3FE0  }
.Ltmp16:
0x1d7: {  	v0 =	vld [tilespmem:s20+$0xFFFFFFF0];
	(pc) =	sbr.rel @p0 .LBB2_34-.Ltmp16, $4  }
0x1d8: {  	_ = 	snop  }
0x1d9: {  	s21 =	sadd.s32 $0x20, s21  }
0x1da: {  	v5 =	vadd.s32 v5, v8;
	v10 =	vor.u32 v8, v6;
	v6 =	vld [tilespmem:s21+$0x0]  }
0x1db: {  	v8 =	vld [tilespmem:s20+$0x0];
	v9 =	vor.u32 v1, v4;
	v7 =	vadd.s32 v7, v10  }
0x1dc: {  	v10 =	vld [tilespmem:s21+$0xFFFFFFF0];
	_ =	swait.ge [sflag:s16], $0x4000  }
0x1dd: {  	[sflag:s16] =	ssyncset.done $0x0  }
0x1de: {  	[sflag:s16] =	ssyncadd.s32 $0xFFFFC000  }
0x1df: {  	_ =	swait.ge [sflag:s17], $0x4000  }
0x1e0: {  	[sflag:s17] =	ssyncset.done $0x0  }
0x1e1: {  	s20 =	simm.s32 $0x4010;
	[sflag:s17] =	ssyncadd.s32 $0xFFFFC000  }
0x1e2: {  	s22 =	simm.s32 $0xC010;
	v4 =	vld [tilespmem:s20+$0xFFFFFFF0]  }
0x1e3: {  	v11 =	vld [tilespmem:s22+$0x0]  }
0x1e4: {  	v12 =	vld [tilespmem:s20+$0x0]  }
0x1e5: {  	v13 =	vld [tilespmem:s22+$0xFFFFFFF0]  }
0x1e6: {  	v2 =	vadd.s32 v2, v1;
	v1 =	vor.u32 v8, v6;
	s20 =	simm.s32 $0x4030  }
0x1e7: {  	v3 =	vadd.s32 v3, v9;
	v9 =	vadd.s32 v7, v1;
	v1 =	vld [tilespmem:s20+$0xFFFFFFF0]  }
0x1e8: {  	s21 =	simm.s32 $0xC030;
	v5 =	vadd.s32 v5, v8;
	v6 =	vor.u32 v0, v10  }
0x1e9: {  	v0 =	vadd.s32 v2, v0;
	v2 =	vadd.s32 v3, v6;
	v3 =	vld [tilespmem:s21+$0x0];
	v10 =	vor.u32 v12, v11  }
0x1ea: {  	s22 =	simm.s32 $0x20;
	v7 =	vld [tilespmem:s20+$0x0];
	v6 =	vadd.s32 v5, v12;
	v8 =	vor.u32 v4, v13;
	v5 =	vadd.s32 v9, v10  }
.LBB2_36:
0x1eb: {  	s22 =	sadd.s32 $0x20, s22  }
0x1ec: {  	v9 =	vld [tilespmem:s21+$0xFFFFFFF0];
	s20 =	sadd.s32 $0x20, s20;
	v0 =	vadd.s32 v0, v4;
	v2 =	vadd.s32 v2, v8;
	v4 =	vmov v1;
	p0 =	slt.u32 s22, $0x3FE0  }
.Ltmp17:
0x1ed: {  	v1 =	vld [tilespmem:s20+$0xFFFFFFF0];
	(pc) =	sbr.rel @p0 .LBB2_36-.Ltmp17, $4  }
0x1ee: {  	_ = 	snop  }
0x1ef: {  	s21 =	sadd.s32 $0x20, s21  }
0x1f0: {  	v6 =	vadd.s32 v6, v7;
	v10 =	vor.u32 v7, v3;
	v3 =	vld [tilespmem:s21+$0x0]  }
0x1f1: {  	v7 =	vld [tilespmem:s20+$0x0];
	v8 =	vor.u32 v4, v9;
	v5 =	vadd.s32 v5, v10  }
0x1f2: {  	v9 =	vld [tilespmem:s21+$0xFFFFFFF0];
	_ =	sdelay $0x2  }
0x1f3: {  	v0 =	vadd.s32 v0, v4  }
0x1f4: {  	v2 =	vadd.s32 v2, v8;
	v0 =	vadd.s32 v0, v1  }
0x1f5: {  	v60 =	vadd.s32 v6, v7;
	v3 =	vor.u32 v7, v3;
	v61 =	vor.u32 v1, v9  }
0x1f6: {  	v62 =	vadd.s32 v5, v3;
	v0 =	vadd.s32 v0, v60;
	v2 =	vadd.s32 v2, v61  }
0x1f7: {  	[tilespmem:$0x10000] =	vst v0;
	v63 =	vadd.s32 v2, v62  }
0x1f8: {  	s20 =	simm.s32 $0x10000;
	[tilespmem:$0x10080] =	vst v63  }
0x1f9: {  	[hbm4b:s8+s1] =	stream.linear.scatter [tilespmem:s20], [sflag:$0x5], $0x80, $0x38;
	[tilespmem:$0x10100] =	vst v63  }
0x1fa: {  	s19 =	sadd.s32 $0x1, s19;
	_ =	swait.ge [sflag:s18], $0x80  }
0x1fb: {  	p0 =	sne.s32 s19, s10;
	[sflag:s18] =	ssyncset.done $0x0  }
.Ltmp18:
0x1fc: {  	s22 =	simm.s32 $0x10080;
	[sflag:s18] =	ssyncadd.s32 $0xFFFFFF80;
	(pc) =	sbr.rel @p0 .LBB2_1-.Ltmp18, $4  }
0x1fd: {  	[hbm4b:s9+s1] =	stream.linear.scatter [tilespmem:s22], [sflag:$0x5], $0x80, $0x38;
	[tilespmem:$0x10100] =	vst v63  }
0x1fe: {  	_ =	swait.ge [sflag:s18], $0x80  }
0x1ff: {  	[sflag:s18] =	ssyncset.done $0x0  }
0x200: {  	[sflag:s18] =	ssyncadd.s32 $0xFFFFFF80  }
0x201: {  	_ =	sfence.sel $0x180000  }
0x202: {  	[bflag:$0x0] =	sbarrier.arrive $0xFFFF  }
0x203: {  	_ =	strace $0x90000047  }
0x204: {  	s0 =	stileid.u32;
	[bflag:$0x2] =	sbarrier.arrive $0xFFFF  }
0x205: {  	p0 =	sne.s32 s0, $0x0;
	s0 =	rddreg [dreg:$0x3]  }
0x206: {  	s0 =	sadd.s32 @!p0 $0x100000, s0  }
0x207: {  	[sflag:s0] =	ssyncadd.tile.s32 @!p0 $0x1;
	_ =	shalt  }
.Lfunc_end2:
_tile_overlayer_lowered:
.L_overlay_start_2:
0x208: {  	(tag) =	ssettag $0x2  }
0x209: {  	s0 =	rddreg [dreg:$0x0];
	s2 =	stileid.u32  }
0x20a: {  	s1 =	rddreg [dreg:$0x1];
	p0 =	sne.s32 s2, $0x0  }
0x20b: {  	s3 =	rddreg [dreg:$0x2];
	[bflag:$0x3] =	sbarrier.arrive $0xFFFF;
	s2 =	simm.s32 @!p0 $0x1C05  }
0x20c: {  	[timem:s3], [sflag:s2] =	dma.local @!p0 [hbm:s0], s1  }
0x20d: {  	s0 =	simm.s32 @!p0 $0x5  }
0x20e: {  	_ =	swait.ge @!p0 [sflag:s0], s1  }
0x20f: {  	s1 =	ssub.s32 @!p0 $0x0, s1;
	[sflag:s0] =	ssyncset.done @!p0 $0x0  }
0x210: {  	[sflag:s0] =	ssyncadd.s32 @!p0 s1  }
0x211: {  	[bflag:$0x3] =	sbarrier.arrive $0xFFFF  }
0x212: {  	_ =	shalt  }

</sc_bundles>
